<compile_context>
chip_gen: v7x
topology: tpu7x:2x2x1
jax: 0.10.2.dev20260603
libtpu: 0.0.44.dev20260713+nightly
codegen_flags: <defaults>
</compile_context>

<pallas_src>
import functools
import jax
import jax.numpy as jnp
from jax import lax
from jax.experimental import pallas as pl
from jax.experimental.pallas import tpu as pltpu
from jax.experimental.pallas import tpu_sc as plsc

N = 10000
E = 320000
D = 128
OUT = 64

CHUNK = 128
N_PAD = 10112
ROWS_PER_TILE = N_PAD // 16
N_CHUNKS = -(-E // (CHUNK * 32)) * 32
E_PAD = N_CHUNKS * CHUNK
CHUNKS_PER_TILE = N_CHUNKS // 32
CHUNKS_PER_CORE = N_CHUNKS // 2

_mesh = functools.partial(
    plsc.VectorSubcoreMesh, core_axis_name="c", subcore_axis_name="s")


def _deg_kernel(dst_hbm, ones_hbm, zeros_hbm, out_hbm,
                idx_d, ones_v, acc, sem):
    c = lax.axis_index("c")
    s = lax.axis_index("s")
    rbase = pl.multiple_of(s * ROWS_PER_TILE, 8)
    cbase = c * CHUNKS_PER_CORE + s * CHUNKS_PER_TILE
    pltpu.sync_copy(ones_hbm, ones_v)
    pltpu.sync_copy(zeros_hbm.at[pl.ds(rbase, ROWS_PER_TILE)],
                    acc.at[pl.ds(rbase, ROWS_PER_TILE)])
    plsc.subcore_barrier()

    def body(j, carry):
        off = pl.multiple_of((cbase + j) * CHUNK, CHUNK)
        pltpu.sync_copy(dst_hbm.at[pl.ds(off, CHUNK)], idx_d)
        pltpu.sync_copy(ones_v, acc.at[idx_d], add=True)
        return carry

    lax.fori_loop(0, CHUNKS_PER_TILE, body, 0)
    plsc.subcore_barrier()

    obase = pl.multiple_of(c * N_PAD + rbase, 8)
    pltpu.sync_copy(acc.at[pl.ds(rbase, ROWS_PER_TILE)],
                    out_hbm.at[pl.ds(obase, ROWS_PER_TILE)])


def _spmm_kernel(y_hbm, src_hbm, dst_hbm, zeros_hbm, out_hbm,
                 idx_s, idx_d, rows_v, acc, sem):
    c = lax.axis_index("c")
    s = lax.axis_index("s")
    rbase = pl.multiple_of(s * ROWS_PER_TILE, 8)
    cbase = c * CHUNKS_PER_CORE + s * CHUNKS_PER_TILE
    pltpu.sync_copy(zeros_hbm.at[pl.ds(rbase, ROWS_PER_TILE)],
                    acc.at[pl.ds(rbase, ROWS_PER_TILE)])
    plsc.subcore_barrier()

    def body(j, carry):
        off = pl.multiple_of((cbase + j) * CHUNK, CHUNK)
        pltpu.sync_copy(src_hbm.at[pl.ds(off, CHUNK)], idx_s)
        pltpu.sync_copy(dst_hbm.at[pl.ds(off, CHUNK)], idx_d)
        pltpu.async_copy(y_hbm.at[idx_s], rows_v, sem).wait()
        pltpu.sync_copy(rows_v, acc.at[idx_d], add=True)
        return carry

    lax.fori_loop(0, CHUNKS_PER_TILE, body, 0)
    plsc.subcore_barrier()

    obase = pl.multiple_of(c * N_PAD + rbase, 8)
    pltpu.sync_copy(acc.at[pl.ds(rbase, ROWS_PER_TILE)],
                    out_hbm.at[pl.ds(obase, ROWS_PER_TILE)])


def _deg_call(dst_pad):
    ones = jnp.ones((CHUNK, D), jnp.float32)
    zeros = jnp.zeros((N_PAD, D), jnp.float32)
    k = pl.kernel(
        _deg_kernel,
        mesh=_mesh(),
        out_type=jax.ShapeDtypeStruct((2 * N_PAD, D), jnp.float32),
        scratch_types=[
            pltpu.VMEM((CHUNK,), jnp.int32),
            pltpu.VMEM((CHUNK, D), jnp.float32),
            pltpu.VMEM_SHARED((N_PAD, D), jnp.float32),
            pltpu.SemaphoreType.DMA,
        ],
    )
    return k(dst_pad, ones, zeros)


def _spmm_call(y, src_pad, dst_pad):
    zeros = jnp.zeros((N_PAD, D), jnp.float32)
    k = pl.kernel(
        _spmm_kernel,
        mesh=_mesh(),
        out_type=jax.ShapeDtypeStruct((2 * N_PAD, D), jnp.float32),
        scratch_types=[
            pltpu.VMEM((CHUNK,), jnp.int32),
            pltpu.VMEM((CHUNK,), jnp.int32),
            pltpu.VMEM((CHUNK, D), jnp.float32),
            pltpu.VMEM_SHARED((N_PAD, D), jnp.float32),
            pltpu.SemaphoreType.DMA,
        ],
    )
    return k(y, src_pad, dst_pad, zeros)



RB = 1000
GRID = N // RB


def _scale_kernel(d0_ref, d1_ref, x_ref, y_ref, dinv_ref):
    deg = d0_ref[:, 0:1] + d1_ref[:, 0:1] + 1.0
    dinv = lax.rsqrt(jnp.maximum(deg, 1.0))
    y_ref[...] = x_ref[...] * dinv
    dinv_ref[...] = jnp.broadcast_to(dinv, dinv_ref.shape)


def _tc_scale(degp0, degp1, x):
    return pl.pallas_call(
        _scale_kernel,
        grid=(GRID,),
        in_specs=[
            pl.BlockSpec((RB, D), lambda i: (i, 0)),
            pl.BlockSpec((RB, D), lambda i: (i, 0)),
            pl.BlockSpec((RB, D), lambda i: (i, 0)),
        ],
        out_specs=[
            pl.BlockSpec((RB, D), lambda i: (i, 0)),
            pl.BlockSpec((RB, 16), lambda i: (i, 0)),
        ],
        out_shape=[jax.ShapeDtypeStruct((N, D), jnp.float32),
                   jax.ShapeDtypeStruct((N, 16), jnp.float32)],
    )(degp0, degp1, x)


def _layer_kernel(p0_ref, p1_ref, x_ref, dinv_ref, w_ref, b_ref,
                  h_ref, y_ref):
    dinv = dinv_ref[:, 0:1]
    agg = dinv * (p0_ref[...] + p1_ref[...]) + (dinv * dinv) * x_ref[...]
    h = jnp.dot(agg, w_ref[...], preferred_element_type=jnp.float32)
    h = jax.nn.sigmoid(h + b_ref[...])
    h_ref[...] = h
    y_ref[...] = h * dinv


def _tc_layer(p0, p1, x, dinv, w, b):
    return pl.pallas_call(
        _layer_kernel,
        grid=(GRID,),
        in_specs=[
            pl.BlockSpec((RB, D), lambda i: (i, 0)),
            pl.BlockSpec((RB, D), lambda i: (i, 0)),
            pl.BlockSpec((RB, D), lambda i: (i, 0)),
            pl.BlockSpec((RB, 16), lambda i: (i, 0)),
            pl.BlockSpec((D, D), lambda i: (0, 0)),
            pl.BlockSpec((1, D), lambda i: (0, 0)),
        ],
        out_specs=[
            pl.BlockSpec((RB, D), lambda i: (i, 0)),
            pl.BlockSpec((RB, D), lambda i: (i, 0)),
        ],
        out_shape=[jax.ShapeDtypeStruct((N, D), jnp.float32),
                   jax.ShapeDtypeStruct((N, D), jnp.float32)],
    )(p0, p1, x, dinv, w, b)


def _final_kernel(p0_ref, p1_ref, x_ref, dinv_ref, w_ref, b_ref,
                  wm1_ref, bm1_ref, wm2_ref, bm2_ref, o_ref):
    dinv = dinv_ref[:, 0:1]
    agg = dinv * (p0_ref[...] + p1_ref[...]) + (dinv * dinv) * x_ref[...]
    h = jnp.dot(agg, w_ref[...], preferred_element_type=jnp.float32)
    h = jax.nn.sigmoid(h + b_ref[...])
    m = jnp.dot(h, wm1_ref[...], preferred_element_type=jnp.float32)
    m = jnp.maximum(m + bm1_ref[...], 0.0)
    o = jnp.dot(m, wm2_ref[...], preferred_element_type=jnp.float32)
    o_ref[...] = o + bm2_ref[...]


def _tc_final(p0, p1, h1, dinv, w2, b2, wm1, bm1, wm2, bm2):
    return pl.pallas_call(
        _final_kernel,
        grid=(GRID,),
        in_specs=[
            pl.BlockSpec((RB, D), lambda i: (i, 0)),
            pl.BlockSpec((RB, D), lambda i: (i, 0)),
            pl.BlockSpec((RB, D), lambda i: (i, 0)),
            pl.BlockSpec((RB, 16), lambda i: (i, 0)),
            pl.BlockSpec((D, D), lambda i: (0, 0)),
            pl.BlockSpec((1, D), lambda i: (0, 0)),
            pl.BlockSpec((D, D), lambda i: (0, 0)),
            pl.BlockSpec((1, D), lambda i: (0, 0)),
            pl.BlockSpec((D, OUT), lambda i: (0, 0)),
            pl.BlockSpec((1, OUT), lambda i: (0, 0)),
        ],
        out_specs=pl.BlockSpec((RB, OUT), lambda i: (i, 0)),
        out_shape=jax.ShapeDtypeStruct((N, OUT), jnp.float32),
    )(p0, p1, h1, dinv, w2, b2, wm1, bm1, wm2, bm2)


def kernel(features, edge_index, W1, b1, W2, b2, Wm1, bm1, Wm2, bm2):
    npad = E_PAD - E
    src_pad = jnp.concatenate(
        [edge_index[0], jnp.zeros((npad,), jnp.int32)])
    dst_pad = jnp.concatenate(
        [edge_index[1], jnp.full((npad,), N, jnp.int32)])

    degp = _deg_call(dst_pad)
    y1, dinv = _tc_scale(degp[:N], degp[N_PAD:N_PAD + N], features)

    p = _spmm_call(y1, src_pad, dst_pad)
    h1, y2 = _tc_layer(p[:N], p[N_PAD:N_PAD + N], features, dinv,
                       W1, b1.reshape(1, D))

    q = _spmm_call(y2, src_pad, dst_pad)
    out = _tc_final(q[:N], q[N_PAD:N_PAD + N], h1, dinv, W2, b2.reshape(1, D),
                    Wm1, bm1.reshape(1, D), Wm2, bm2.reshape(1, OUT))
    return out

# --- scband reference (transcript-rebuilt; emitter-appended) ---
"""Pipeline reference for scband-gcnmodel-12584254177938 (READ-ONLY COPY).

The authoritative reference and input builder live on the scoring server;
editing this copy changes nothing except your own understanding.
"""

import jax, jax.numpy as jnp
import numpy as np

N = 10000
E = 320000
D_IN = 128
H1 = 128
H2 = 128
H3 = 128
OUT = 64


def gcn_layer(x, edge_index, W, b):
    # Standard GCN conv: add self loops, symmetric degree normalization,
    # scatter-add aggregation, then linear transform.
    n = x.shape[0]
    src = edge_index[0]
    dst = edge_index[1]
    loop = jnp.arange(n, dtype=src.dtype)
    src = jnp.concatenate([src, loop])
    dst = jnp.concatenate([dst, loop])
    deg = jnp.zeros((n,), x.dtype).at[dst].add(1.0)
    dinv = jax.lax.rsqrt(jnp.maximum(deg, 1.0))
    norm = dinv[src] * dinv[dst]
    msgs = jnp.take(x, src, axis=0) * norm[:, None]
    agg = jnp.zeros((n, x.shape[1]), x.dtype).at[dst].add(msgs)
    return agg @ W + b


def setup_inputs(seed: int = 0) -> dict:
    key = jax.random.key(seed)
    ks = jax.random.split(key, 12)
    features = jax.random.normal(ks[0], (N, D_IN), dtype=jnp.float32)
    edge_index = jax.random.randint(ks[1], (2, E), 0, N, dtype=jnp.int32)
    s1 = 1.0 / np.sqrt(D_IN)
    s2 = 1.0 / np.sqrt(H1)
    s3 = 1.0 / np.sqrt(H2)
    s4 = 1.0 / np.sqrt(H3)
    W1 = jax.random.uniform(ks[2], (D_IN, H1), jnp.float32, -s1, s1)
    b1 = jax.random.uniform(ks[3], (H1,), jnp.float32, -s1, s1)
    W2 = jax.random.uniform(ks[4], (H1, H2), jnp.float32, -s2, s2)
    b2 = jax.random.uniform(ks[5], (H2,), jnp.float32, -s2, s2)
    Wm1 = jax.random.uniform(ks[6], (H2, H3), jnp.float32, -s3, s3)
    bm1 = jax.random.uniform(ks[7], (H3,), jnp.float32, -s3, s3)
    Wm2 = jax.random.uniform(ks[8], (H3, OUT), jnp.float32, -s4, s4)
    bm2 = jax.random.uniform(ks[9], (OUT,), jnp.float32, -s4, s4)
    return {
        "features": features,
        "edge_index": edge_index,
        "W1": W1, "b1": b1,
        "W2": W2, "b2": b2,
        "Wm1": Wm1, "bm1": bm1,
        "Wm2": Wm2, "bm2": bm2,
    }


def reference(features, edge_index, W1, b1, W2, b2, Wm1, bm1, Wm2, bm2):
    # GCNModel.forward (eval mode: dropout is identity, batch_norm=False)
    h = gcn_layer(features, edge_index, W1, b1)
    h = jax.nn.sigmoid(h)
    h = gcn_layer(h, edge_index, W2, b2)
    h = jax.nn.sigmoid(h)
    # MLP classifier: Linear -> ReLU -> Linear
    h = jax.nn.relu(h @ Wm1 + bm1)
    out = h @ Wm2 + bm2
    return out

if __name__ == "__main__":
    import jax
    _d = setup_inputs()
    print(jax.jit(kernel)(*tuple(_d.values())))

</pallas_src>

<mosaic_0001>
#map = affine_map<(d0, d1) -> (0, 0)>
#map1 = affine_map<(d0, d1) -> (0)>
module attributes {stable_mosaic.version = 14 : i64} {
  func.func @_spmm_kernel(%arg0: i32, %arg1: i32, %arg2: memref<10000x128xf32, #tpu.memory_space<hbm>>, %arg3: memref<323584xi32, #tpu.memory_space<hbm>>, %arg4: memref<323584xi32, #tpu.memory_space<hbm>>, %arg5: memref<10112x128xf32, #tpu.memory_space<hbm>>, %arg6: memref<20224x128xf32, #tpu.memory_space<hbm>>, %arg7: memref<128xi32, #tpu.memory_space<vmem>>, %arg8: memref<128xi32, #tpu.memory_space<vmem>>, %arg9: memref<128x128xf32, #tpu.memory_space<vmem>>, %arg10: memref<10112x128xf32, #tpu.memory_space<vmem_shared>>, %arg11: memref<!tpu.dma_semaphore, #tpu.memory_space<semaphore_mem>>) attributes {dimension_semantics = [#tpu.dimension_semantics<core_parallel>, #tpu.dimension_semantics<subcore_parallel>], iteration_bounds = array<i64: 2, 16>, scalar_prefetch = 0 : i64, scratch_operands = 5 : i64, tpu.core_type = #tpu.core_type<sc_vector_subcore>, window_params = [{transform_indices = #map}, {transform_indices = #map1}, {transform_indices = #map1}, {transform_indices = #map}, {transform_indices = #map}]} {
    %mul3A = arith.constant 632 : i32
    %mul3A_0 = arith.muli %arg1, %mul3A : i32
    %multiple_of3A = tpu.assume_multiple %mul3A_0, 8 : i32
    %mul3A_1 = arith.constant 1264 : i32
    %mul3A_2 = arith.muli %arg0, %mul3A_1 : i32
    %mul3A_3 = arith.constant 79 : i32
    %mul3A_4 = arith.muli %arg1, %mul3A_3 : i32
    %add3A = arith.addi %mul3A_2, %mul3A_4 : i32
    "tpu.region"() ({
      %run_scoped3A = tpu.sem_alloc : memref<!tpu.dma_semaphore, #tpu.memory_space<semaphore_mem>>
      %dma_start3A = arith.constant 0 : i32
      %dma_start3A_15 = tpu.memref_slice %arg10[%multiple_of3A, %dma_start3A] : memref<10112x128xf32, #tpu.memory_space<vmem_shared>> -> memref<632x128xf32, #tpu.memory_space<vmem_shared>>
      %dma_start3A_16 = arith.constant 0 : i32
      %dma_start3A_17 = tpu.memref_slice %arg5[%multiple_of3A, %dma_start3A_16] : memref<10112x128xf32, #tpu.memory_space<hbm>> -> memref<632x128xf32, #tpu.memory_space<hbm>>
      tpu.enqueue_dma source(%dma_start3A_17 : memref<632x128xf32, #tpu.memory_space<hbm>>) target(%dma_start3A_15 : memref<632x128xf32, #tpu.memory_space<vmem_shared>>) target_semaphore(%run_scoped3A : memref<!tpu.dma_semaphore, #tpu.memory_space<semaphore_mem>>)
      %dma_wait3A = arith.constant 0 : i32
      %dma_wait3A_18 = tpu.memref_slice %arg10[%multiple_of3A, %dma_wait3A] : memref<10112x128xf32, #tpu.memory_space<vmem_shared>> -> memref<632x128xf32, #tpu.memory_space<vmem_shared>>
      %dma_wait3A_19 = arith.constant 0 : i32
      %dma_wait3A_20 = tpu.memref_slice %arg5[%multiple_of3A, %dma_wait3A_19] : memref<10112x128xf32, #tpu.memory_space<hbm>> -> memref<632x128xf32, #tpu.memory_space<hbm>>
      tpu.wait_dma2 semaphore(%run_scoped3A : memref<!tpu.dma_semaphore, #tpu.memory_space<semaphore_mem>>) src(%dma_wait3A_20 : memref<632x128xf32, #tpu.memory_space<hbm>>) dst(%dma_wait3A_18 : memref<632x128xf32, #tpu.memory_space<vmem_shared>>)
      tpu.yield
    }) : () -> ()
    %barrier3A = arith.constant 0 : index
    tpu.barrier barrier_id(%barrier3A)
    %scan3A = arith.constant 0 : i32
    %scan3A_5 = arith.constant 0 : i32
    %scan3A_6 = arith.constant 79 : i32
    %scan3A_7 = arith.addi %scan3A_5, %scan3A_6 : i32
    %scan3A_8 = arith.constant 1 : i32
    scf.for %scan3A_15 = %scan3A_5 to %scan3A_7 step %scan3A_8  : i32 {
      %add3A_16 = arith.addi %add3A, %scan3A_15 : i32
      %mul3A_17 = arith.constant 128 : i32
      %mul3A_18 = arith.muli %add3A_16, %mul3A_17 : i32
      %multiple_of3A_19 = tpu.assume_multiple %mul3A_18, 128 : i32
      "tpu.region"() ({
        %run_scoped3A = tpu.sem_alloc : memref<!tpu.dma_semaphore, #tpu.memory_space<semaphore_mem>>
        %dma_start3A_24 = tpu.memref_slice %arg3[%multiple_of3A_19] : memref<323584xi32, #tpu.memory_space<hbm>> -> memref<128xi32, #tpu.memory_space<hbm>>
        %dma_start3A_25 = tpu.memref_slice %arg3[%multiple_of3A_19] : memref<323584xi32, #tpu.memory_space<hbm>> -> memref<128xi32, #tpu.memory_space<hbm>>
        tpu.enqueue_dma source(%dma_start3A_25 : memref<128xi32, #tpu.memory_space<hbm>>) target(%arg7 : memref<128xi32, #tpu.memory_space<vmem>>) target_semaphore(%run_scoped3A : memref<!tpu.dma_semaphore, #tpu.memory_space<semaphore_mem>>)
        %dma_wait3A_26 = tpu.memref_slice %arg3[%multiple_of3A_19] : memref<323584xi32, #tpu.memory_space<hbm>> -> memref<128xi32, #tpu.memory_space<hbm>>
        %dma_wait3A_27 = tpu.memref_slice %arg3[%multiple_of3A_19] : memref<323584xi32, #tpu.memory_space<hbm>> -> memref<128xi32, #tpu.memory_space<hbm>>
        tpu.wait_dma2 semaphore(%run_scoped3A : memref<!tpu.dma_semaphore, #tpu.memory_space<semaphore_mem>>) src(%dma_wait3A_27 : memref<128xi32, #tpu.memory_space<hbm>>) dst(%arg7 : memref<128xi32, #tpu.memory_space<vmem>>)
        tpu.yield
      }) : () -> ()
      "tpu.region"() ({
        %run_scoped3A = tpu.sem_alloc : memref<!tpu.dma_semaphore, #tpu.memory_space<semaphore_mem>>
        %dma_start3A_24 = tpu.memref_slice %arg4[%multiple_of3A_19] : memref<323584xi32, #tpu.memory_space<hbm>> -> memref<128xi32, #tpu.memory_space<hbm>>
        %dma_start3A_25 = tpu.memref_slice %arg4[%multiple_of3A_19] : memref<323584xi32, #tpu.memory_space<hbm>> -> memref<128xi32, #tpu.memory_space<hbm>>
        tpu.enqueue_dma source(%dma_start3A_25 : memref<128xi32, #tpu.memory_space<hbm>>) target(%arg8 : memref<128xi32, #tpu.memory_space<vmem>>) target_semaphore(%run_scoped3A : memref<!tpu.dma_semaphore, #tpu.memory_space<semaphore_mem>>)
        %dma_wait3A_26 = tpu.memref_slice %arg4[%multiple_of3A_19] : memref<323584xi32, #tpu.memory_space<hbm>> -> memref<128xi32, #tpu.memory_space<hbm>>
        %dma_wait3A_27 = tpu.memref_slice %arg4[%multiple_of3A_19] : memref<323584xi32, #tpu.memory_space<hbm>> -> memref<128xi32, #tpu.memory_space<hbm>>
        tpu.wait_dma2 semaphore(%run_scoped3A : memref<!tpu.dma_semaphore, #tpu.memory_space<semaphore_mem>>) src(%dma_wait3A_27 : memref<128xi32, #tpu.memory_space<hbm>>) dst(%arg8 : memref<128xi32, #tpu.memory_space<vmem>>)
        tpu.yield
      }) : () -> ()
      %dma_start3A = arith.constant 0 : i32
      %dma_start3A_20 = arith.constant 0 : i32
      %dma_start3A_21 = tpu.memref_slice %arg2[%dma_start3A, %dma_start3A_20] : memref<10000x128xf32, #tpu.memory_space<hbm>> -> memref<10000x128xf32, #tpu.memory_space<hbm>>
      tpu.enqueue_indirect_dma source(%dma_start3A_21 : memref<10000x128xf32, #tpu.memory_space<hbm>>) target(%arg9 : memref<128x128xf32, #tpu.memory_space<vmem>>) offsets(%arg7 : memref<128xi32, #tpu.memory_space<vmem>>) semaphore(%arg11 : memref<!tpu.dma_semaphore, #tpu.memory_space<semaphore_mem>>)
      %dma_wait3A = arith.constant 0 : i32
      %dma_wait3A_22 = arith.constant 0 : i32
      %dma_wait3A_23 = tpu.memref_slice %arg2[%dma_wait3A, %dma_wait3A_22] : memref<10000x128xf32, #tpu.memory_space<hbm>> -> memref<10000x128xf32, #tpu.memory_space<hbm>>
      tpu.wait_indirect_dma semaphore(%arg11 : memref<!tpu.dma_semaphore, #tpu.memory_space<semaphore_mem>>) src(%dma_wait3A_23 : memref<10000x128xf32, #tpu.memory_space<hbm>>) dst(%arg9 : memref<128x128xf32, #tpu.memory_space<vmem>>)
      "tpu.region"() ({
        %run_scoped3A = tpu.sem_alloc : memref<!tpu.dma_semaphore, #tpu.memory_space<semaphore_mem>>
        %dma_start3A_24 = arith.constant 0 : i32
        %dma_start3A_25 = arith.constant 0 : i32
        %dma_start3A_26 = tpu.memref_slice %arg10[%dma_start3A_24, %dma_start3A_25] : memref<10112x128xf32, #tpu.memory_space<vmem_shared>> -> memref<10112x128xf32, #tpu.memory_space<vmem_shared>>
        tpu.enqueue_indirect_dma source(%arg9 : memref<128x128xf32, #tpu.memory_space<vmem>>) target(%dma_start3A_26 : memref<10112x128xf32, #tpu.memory_space<vmem_shared>>) offsets(%arg8 : memref<128xi32, #tpu.memory_space<vmem>>) semaphore(%run_scoped3A : memref<!tpu.dma_semaphore, #tpu.memory_space<semaphore_mem>>) {add = true}
        %dma_wait3A_27 = arith.constant 0 : i32
        %dma_wait3A_28 = arith.constant 0 : i32
        %dma_wait3A_29 = tpu.memref_slice %arg10[%dma_wait3A_27, %dma_wait3A_28] : memref<10112x128xf32, #tpu.memory_space<vmem_shared>> -> memref<10112x128xf32, #tpu.memory_space<vmem_shared>>
        tpu.wait_indirect_dma semaphore(%run_scoped3A : memref<!tpu.dma_semaphore, #tpu.memory_space<semaphore_mem>>) src(%arg9 : memref<128x128xf32, #tpu.memory_space<vmem>>) dst(%dma_wait3A_29 : memref<10112x128xf32, #tpu.memory_space<vmem_shared>>)
        tpu.yield
      }) : () -> ()
    }
    %scan3A_9 = arith.constant 79 : i32
    %barrier3A_10 = arith.constant 0 : index
    tpu.barrier barrier_id(%barrier3A_10)
    %mul3A_11 = arith.constant 10112 : i32
    %mul3A_12 = arith.muli %arg0, %mul3A_11 : i32
    %add3A_13 = arith.addi %mul3A_12, %multiple_of3A : i32
    %multiple_of3A_14 = tpu.assume_multiple %add3A_13, 8 : i32
    "tpu.region"() ({
      %run_scoped3A = tpu.sem_alloc : memref<!tpu.dma_semaphore, #tpu.memory_space<semaphore_mem>>
      %dma_start3A = arith.constant 0 : i32
      %dma_start3A_15 = tpu.memref_slice %arg6[%multiple_of3A_14, %dma_start3A] : memref<20224x128xf32, #tpu.memory_space<hbm>> -> memref<632x128xf32, #tpu.memory_space<hbm>>
      %dma_start3A_16 = arith.constant 0 : i32
      %dma_start3A_17 = tpu.memref_slice %arg10[%multiple_of3A, %dma_start3A_16] : memref<10112x128xf32, #tpu.memory_space<vmem_shared>> -> memref<632x128xf32, #tpu.memory_space<vmem_shared>>
      tpu.enqueue_dma source(%dma_start3A_17 : memref<632x128xf32, #tpu.memory_space<vmem_shared>>) target(%dma_start3A_15 : memref<632x128xf32, #tpu.memory_space<hbm>>) target_semaphore(%run_scoped3A : memref<!tpu.dma_semaphore, #tpu.memory_space<semaphore_mem>>)
      %dma_wait3A = arith.constant 0 : i32
      %dma_wait3A_18 = tpu.memref_slice %arg6[%multiple_of3A_14, %dma_wait3A] : memref<20224x128xf32, #tpu.memory_space<hbm>> -> memref<632x128xf32, #tpu.memory_space<hbm>>
      %dma_wait3A_19 = arith.constant 0 : i32
      %dma_wait3A_20 = tpu.memref_slice %arg10[%multiple_of3A, %dma_wait3A_19] : memref<10112x128xf32, #tpu.memory_space<vmem_shared>> -> memref<632x128xf32, #tpu.memory_space<vmem_shared>>
      tpu.wait_dma2 semaphore(%run_scoped3A : memref<!tpu.dma_semaphore, #tpu.memory_space<semaphore_mem>>) src(%dma_wait3A_20 : memref<632x128xf32, #tpu.memory_space<vmem_shared>>) dst(%dma_wait3A_18 : memref<632x128xf32, #tpu.memory_space<hbm>>)
      tpu.yield
    }) : () -> ()
    return
  }
}

#map = affine_map<(d0, d1) -> (0)>
#map1 = affine_map<(d0, d1) -> (0, 0)>
module attributes {stable_mosaic.version = 14 : i64} {
  func.func @_deg_kernel(%arg0: i32, %arg1: i32, %arg2: memref<323584xi32, #tpu.memory_space<hbm>>, %arg3: memref<128x128xf32, #tpu.memory_space<hbm>>, %arg4: memref<10112x128xf32, #tpu.memory_space<hbm>>, %arg5: memref<20224x128xf32, #tpu.memory_space<hbm>>, %arg6: memref<128xi32, #tpu.memory_space<vmem>>, %arg7: memref<128x128xf32, #tpu.memory_space<vmem>>, %arg8: memref<10112x128xf32, #tpu.memory_space<vmem_shared>>, %arg9: memref<!tpu.dma_semaphore, #tpu.memory_space<semaphore_mem>>) attributes {dimension_semantics = [#tpu.dimension_semantics<core_parallel>, #tpu.dimension_semantics<subcore_parallel>], iteration_bounds = array<i64: 2, 16>, scalar_prefetch = 0 : i64, scratch_operands = 4 : i64, tpu.core_type = #tpu.core_type<sc_vector_subcore>, window_params = [{transform_indices = #map}, {transform_indices = #map1}, {transform_indices = #map1}, {transform_indices = #map1}]} {
    %mul3A = arith.constant 632 : i32
    %mul3A_0 = arith.muli %arg1, %mul3A : i32
    %multiple_of3A = tpu.assume_multiple %mul3A_0, 8 : i32
    %mul3A_1 = arith.constant 1264 : i32
    %mul3A_2 = arith.muli %arg0, %mul3A_1 : i32
    %mul3A_3 = arith.constant 79 : i32
    %mul3A_4 = arith.muli %arg1, %mul3A_3 : i32
    %add3A = arith.addi %mul3A_2, %mul3A_4 : i32
    "tpu.region"() ({
      %run_scoped3A = tpu.sem_alloc : memref<!tpu.dma_semaphore, #tpu.memory_space<semaphore_mem>>
      tpu.enqueue_dma source(%arg3 : memref<128x128xf32, #tpu.memory_space<hbm>>) target(%arg7 : memref<128x128xf32, #tpu.memory_space<vmem>>) target_semaphore(%run_scoped3A : memref<!tpu.dma_semaphore, #tpu.memory_space<semaphore_mem>>)
      tpu.wait_dma2 semaphore(%run_scoped3A : memref<!tpu.dma_semaphore, #tpu.memory_space<semaphore_mem>>) src(%arg3 : memref<128x128xf32, #tpu.memory_space<hbm>>) dst(%arg7 : memref<128x128xf32, #tpu.memory_space<vmem>>)
      tpu.yield
    }) : () -> ()
    "tpu.region"() ({
      %run_scoped3A = tpu.sem_alloc : memref<!tpu.dma_semaphore, #tpu.memory_space<semaphore_mem>>
      %dma_start3A = arith.constant 0 : i32
      %dma_start3A_15 = tpu.memref_slice %arg8[%multiple_of3A, %dma_start3A] : memref<10112x128xf32, #tpu.memory_space<vmem_shared>> -> memref<632x128xf32, #tpu.memory_space<vmem_shared>>
      %dma_start3A_16 = arith.constant 0 : i32
      %dma_start3A_17 = tpu.memref_slice %arg4[%multiple_of3A, %dma_start3A_16] : memref<10112x128xf32, #tpu.memory_space<hbm>> -> memref<632x128xf32, #tpu.memory_space<hbm>>
      tpu.enqueue_dma source(%dma_start3A_17 : memref<632x128xf32, #tpu.memory_space<hbm>>) target(%dma_start3A_15 : memref<632x128xf32, #tpu.memory_space<vmem_shared>>) target_semaphore(%run_scoped3A : memref<!tpu.dma_semaphore, #tpu.memory_space<semaphore_mem>>)
      %dma_wait3A = arith.constant 0 : i32
      %dma_wait3A_18 = tpu.memref_slice %arg8[%multiple_of3A, %dma_wait3A] : memref<10112x128xf32, #tpu.memory_space<vmem_shared>> -> memref<632x128xf32, #tpu.memory_space<vmem_shared>>
      %dma_wait3A_19 = arith.constant 0 : i32
      %dma_wait3A_20 = tpu.memref_slice %arg4[%multiple_of3A, %dma_wait3A_19] : memref<10112x128xf32, #tpu.memory_space<hbm>> -> memref<632x128xf32, #tpu.memory_space<hbm>>
      tpu.wait_dma2 semaphore(%run_scoped3A : memref<!tpu.dma_semaphore, #tpu.memory_space<semaphore_mem>>) src(%dma_wait3A_20 : memref<632x128xf32, #tpu.memory_space<hbm>>) dst(%dma_wait3A_18 : memref<632x128xf32, #tpu.memory_space<vmem_shared>>)
      tpu.yield
    }) : () -> ()
    %barrier3A = arith.constant 0 : index
    tpu.barrier barrier_id(%barrier3A)
    %scan3A = arith.constant 0 : i32
    %scan3A_5 = arith.constant 0 : i32
    %scan3A_6 = arith.constant 79 : i32
    %scan3A_7 = arith.addi %scan3A_5, %scan3A_6 : i32
    %scan3A_8 = arith.constant 1 : i32
    scf.for %scan3A_15 = %scan3A_5 to %scan3A_7 step %scan3A_8  : i32 {
      %add3A_16 = arith.addi %add3A, %scan3A_15 : i32
      %mul3A_17 = arith.constant 128 : i32
      %mul3A_18 = arith.muli %add3A_16, %mul3A_17 : i32
      %multiple_of3A_19 = tpu.assume_multiple %mul3A_18, 128 : i32
      "tpu.region"() ({
        %run_scoped3A = tpu.sem_alloc : memref<!tpu.dma_semaphore, #tpu.memory_space<semaphore_mem>>
        %dma_start3A = tpu.memref_slice %arg2[%multiple_of3A_19] : memref<323584xi32, #tpu.memory_space<hbm>> -> memref<128xi32, #tpu.memory_space<hbm>>
        %dma_start3A_20 = tpu.memref_slice %arg2[%multiple_of3A_19] : memref<323584xi32, #tpu.memory_space<hbm>> -> memref<128xi32, #tpu.memory_space<hbm>>
        tpu.enqueue_dma source(%dma_start3A_20 : memref<128xi32, #tpu.memory_space<hbm>>) target(%arg6 : memref<128xi32, #tpu.memory_space<vmem>>) target_semaphore(%run_scoped3A : memref<!tpu.dma_semaphore, #tpu.memory_space<semaphore_mem>>)
        %dma_wait3A = tpu.memref_slice %arg2[%multiple_of3A_19] : memref<323584xi32, #tpu.memory_space<hbm>> -> memref<128xi32, #tpu.memory_space<hbm>>
        %dma_wait3A_21 = tpu.memref_slice %arg2[%multiple_of3A_19] : memref<323584xi32, #tpu.memory_space<hbm>> -> memref<128xi32, #tpu.memory_space<hbm>>
        tpu.wait_dma2 semaphore(%run_scoped3A : memref<!tpu.dma_semaphore, #tpu.memory_space<semaphore_mem>>) src(%dma_wait3A_21 : memref<128xi32, #tpu.memory_space<hbm>>) dst(%arg6 : memref<128xi32, #tpu.memory_space<vmem>>)
        tpu.yield
      }) : () -> ()
      "tpu.region"() ({
        %run_scoped3A = tpu.sem_alloc : memref<!tpu.dma_semaphore, #tpu.memory_space<semaphore_mem>>
        %dma_start3A = arith.constant 0 : i32
        %dma_start3A_20 = arith.constant 0 : i32
        %dma_start3A_21 = tpu.memref_slice %arg8[%dma_start3A, %dma_start3A_20] : memref<10112x128xf32, #tpu.memory_space<vmem_shared>> -> memref<10112x128xf32, #tpu.memory_space<vmem_shared>>
        tpu.enqueue_indirect_dma source(%arg7 : memref<128x128xf32, #tpu.memory_space<vmem>>) target(%dma_start3A_21 : memref<10112x128xf32, #tpu.memory_space<vmem_shared>>) offsets(%arg6 : memref<128xi32, #tpu.memory_space<vmem>>) semaphore(%run_scoped3A : memref<!tpu.dma_semaphore, #tpu.memory_space<semaphore_mem>>) {add = true}
        %dma_wait3A = arith.constant 0 : i32
        %dma_wait3A_22 = arith.constant 0 : i32
        %dma_wait3A_23 = tpu.memref_slice %arg8[%dma_wait3A, %dma_wait3A_22] : memref<10112x128xf32, #tpu.memory_space<vmem_shared>> -> memref<10112x128xf32, #tpu.memory_space<vmem_shared>>
        tpu.wait_indirect_dma semaphore(%run_scoped3A : memref<!tpu.dma_semaphore, #tpu.memory_space<semaphore_mem>>) src(%arg7 : memref<128x128xf32, #tpu.memory_space<vmem>>) dst(%dma_wait3A_23 : memref<10112x128xf32, #tpu.memory_space<vmem_shared>>)
        tpu.yield
      }) : () -> ()
    }
    %scan3A_9 = arith.constant 79 : i32
    %barrier3A_10 = arith.constant 0 : index
    tpu.barrier barrier_id(%barrier3A_10)
    %mul3A_11 = arith.constant 10112 : i32
    %mul3A_12 = arith.muli %arg0, %mul3A_11 : i32
    %add3A_13 = arith.addi %mul3A_12, %multiple_of3A : i32
    %multiple_of3A_14 = tpu.assume_multiple %add3A_13, 8 : i32
    "tpu.region"() ({
      %run_scoped3A = tpu.sem_alloc : memref<!tpu.dma_semaphore, #tpu.memory_space<semaphore_mem>>
      %dma_start3A = arith.constant 0 : i32
      %dma_start3A_15 = tpu.memref_slice %arg5[%multiple_of3A_14, %dma_start3A] : memref<20224x128xf32, #tpu.memory_space<hbm>> -> memref<632x128xf32, #tpu.memory_space<hbm>>
      %dma_start3A_16 = arith.constant 0 : i32
      %dma_start3A_17 = tpu.memref_slice %arg8[%multiple_of3A, %dma_start3A_16] : memref<10112x128xf32, #tpu.memory_space<vmem_shared>> -> memref<632x128xf32, #tpu.memory_space<vmem_shared>>
      tpu.enqueue_dma source(%dma_start3A_17 : memref<632x128xf32, #tpu.memory_space<vmem_shared>>) target(%dma_start3A_15 : memref<632x128xf32, #tpu.memory_space<hbm>>) target_semaphore(%run_scoped3A : memref<!tpu.dma_semaphore, #tpu.memory_space<semaphore_mem>>)
      %dma_wait3A = arith.constant 0 : i32
      %dma_wait3A_18 = tpu.memref_slice %arg5[%multiple_of3A_14, %dma_wait3A] : memref<20224x128xf32, #tpu.memory_space<hbm>> -> memref<632x128xf32, #tpu.memory_space<hbm>>
      %dma_wait3A_19 = arith.constant 0 : i32
      %dma_wait3A_20 = tpu.memref_slice %arg8[%multiple_of3A, %dma_wait3A_19] : memref<10112x128xf32, #tpu.memory_space<vmem_shared>> -> memref<632x128xf32, #tpu.memory_space<vmem_shared>>
      tpu.wait_dma2 semaphore(%run_scoped3A : memref<!tpu.dma_semaphore, #tpu.memory_space<semaphore_mem>>) src(%dma_wait3A_20 : memref<632x128xf32, #tpu.memory_space<vmem_shared>>) dst(%dma_wait3A_18 : memref<632x128xf32, #tpu.memory_space<hbm>>)
      tpu.yield
    }) : () -> ()
    return
  }
}

#map = affine_map<(d0, d1) -> (0, 0)>
#map1 = affine_map<(d0, d1) -> (0)>
module attributes {stable_mosaic.version = 14 : i64} {
  func.func @_spmm_kernel(%arg0: i32, %arg1: i32, %arg2: memref<10000x128xf32, #tpu.memory_space<hbm>>, %arg3: memref<323584xi32, #tpu.memory_space<hbm>>, %arg4: memref<323584xi32, #tpu.memory_space<hbm>>, %arg5: memref<10112x128xf32, #tpu.memory_space<hbm>>, %arg6: memref<20224x128xf32, #tpu.memory_space<hbm>>, %arg7: memref<128xi32, #tpu.memory_space<vmem>>, %arg8: memref<128xi32, #tpu.memory_space<vmem>>, %arg9: memref<128x128xf32, #tpu.memory_space<vmem>>, %arg10: memref<10112x128xf32, #tpu.memory_space<vmem_shared>>, %arg11: memref<!tpu.dma_semaphore, #tpu.memory_space<semaphore_mem>>) attributes {dimension_semantics = [#tpu.dimension_semantics<core_parallel>, #tpu.dimension_semantics<subcore_parallel>], iteration_bounds = array<i64: 2, 16>, scalar_prefetch = 0 : i64, scratch_operands = 5 : i64, tpu.core_type = #tpu.core_type<sc_vector_subcore>, window_params = [{transform_indices = #map}, {transform_indices = #map1}, {transform_indices = #map1}, {transform_indices = #map}, {transform_indices = #map}]} {
    %mul3A = arith.constant 632 : i32
    %mul3A_0 = arith.muli %arg1, %mul3A : i32
    %multiple_of3A = tpu.assume_multiple %mul3A_0, 8 : i32
    %mul3A_1 = arith.constant 1264 : i32
    %mul3A_2 = arith.muli %arg0, %mul3A_1 : i32
    %mul3A_3 = arith.constant 79 : i32
    %mul3A_4 = arith.muli %arg1, %mul3A_3 : i32
    %add3A = arith.addi %mul3A_2, %mul3A_4 : i32
    "tpu.region"() ({
      %run_scoped3A = tpu.sem_alloc : memref<!tpu.dma_semaphore, #tpu.memory_space<semaphore_mem>>
      %dma_start3A = arith.constant 0 : i32
      %dma_start3A_15 = tpu.memref_slice %arg10[%multiple_of3A, %dma_start3A] : memref<10112x128xf32, #tpu.memory_space<vmem_shared>> -> memref<632x128xf32, #tpu.memory_space<vmem_shared>>
      %dma_start3A_16 = arith.constant 0 : i32
      %dma_start3A_17 = tpu.memref_slice %arg5[%multiple_of3A, %dma_start3A_16] : memref<10112x128xf32, #tpu.memory_space<hbm>> -> memref<632x128xf32, #tpu.memory_space<hbm>>
      tpu.enqueue_dma source(%dma_start3A_17 : memref<632x128xf32, #tpu.memory_space<hbm>>) target(%dma_start3A_15 : memref<632x128xf32, #tpu.memory_space<vmem_shared>>) target_semaphore(%run_scoped3A : memref<!tpu.dma_semaphore, #tpu.memory_space<semaphore_mem>>)
      %dma_wait3A = arith.constant 0 : i32
      %dma_wait3A_18 = tpu.memref_slice %arg10[%multiple_of3A, %dma_wait3A] : memref<10112x128xf32, #tpu.memory_space<vmem_shared>> -> memref<632x128xf32, #tpu.memory_space<vmem_shared>>
      %dma_wait3A_19 = arith.constant 0 : i32
      %dma_wait3A_20 = tpu.memref_slice %arg5[%multiple_of3A, %dma_wait3A_19] : memref<10112x128xf32, #tpu.memory_space<hbm>> -> memref<632x128xf32, #tpu.memory_space<hbm>>
      tpu.wait_dma2 semaphore(%run_scoped3A : memref<!tpu.dma_semaphore, #tpu.memory_space<semaphore_mem>>) src(%dma_wait3A_20 : memref<632x128xf32, #tpu.memory_space<hbm>>) dst(%dma_wait3A_18 : memref<632x128xf32, #tpu.memory_space<vmem_shared>>)
      tpu.yield
    }) : () -> ()
    %barrier3A = arith.constant 0 : index
    tpu.barrier barrier_id(%barrier3A)
    %scan3A = arith.constant 0 : i32
    %scan3A_5 = arith.constant 0 : i32
    %scan3A_6 = arith.constant 79 : i32
    %scan3A_7 = arith.addi %scan3A_5, %scan3A_6 : i32
    %scan3A_8 = arith.constant 1 : i32
    scf.for %scan3A_15 = %scan3A_5 to %scan3A_7 step %scan3A_8  : i32 {
      %add3A_16 = arith.addi %add3A, %scan3A_15 : i32
      %mul3A_17 = arith.constant 128 : i32
      %mul3A_18 = arith.muli %add3A_16, %mul3A_17 : i32
      %multiple_of3A_19 = tpu.assume_multiple %mul3A_18, 128 : i32
      "tpu.region"() ({
        %run_scoped3A = tpu.sem_alloc : memref<!tpu.dma_semaphore, #tpu.memory_space<semaphore_mem>>
        %dma_start3A_24 = tpu.memref_slice %arg3[%multiple_of3A_19] : memref<323584xi32, #tpu.memory_space<hbm>> -> memref<128xi32, #tpu.memory_space<hbm>>
        %dma_start3A_25 = tpu.memref_slice %arg3[%multiple_of3A_19] : memref<323584xi32, #tpu.memory_space<hbm>> -> memref<128xi32, #tpu.memory_space<hbm>>
        tpu.enqueue_dma source(%dma_start3A_25 : memref<128xi32, #tpu.memory_space<hbm>>) target(%arg7 : memref<128xi32, #tpu.memory_space<vmem>>) target_semaphore(%run_scoped3A : memref<!tpu.dma_semaphore, #tpu.memory_space<semaphore_mem>>)
        %dma_wait3A_26 = tpu.memref_slice %arg3[%multiple_of3A_19] : memref<323584xi32, #tpu.memory_space<hbm>> -> memref<128xi32, #tpu.memory_space<hbm>>
        %dma_wait3A_27 = tpu.memref_slice %arg3[%multiple_of3A_19] : memref<323584xi32, #tpu.memory_space<hbm>> -> memref<128xi32, #tpu.memory_space<hbm>>
        tpu.wait_dma2 semaphore(%run_scoped3A : memref<!tpu.dma_semaphore, #tpu.memory_space<semaphore_mem>>) src(%dma_wait3A_27 : memref<128xi32, #tpu.memory_space<hbm>>) dst(%arg7 : memref<128xi32, #tpu.memory_space<vmem>>)
        tpu.yield
      }) : () -> ()
      "tpu.region"() ({
        %run_scoped3A = tpu.sem_alloc : memref<!tpu.dma_semaphore, #tpu.memory_space<semaphore_mem>>
        %dma_start3A_24 = tpu.memref_slice %arg4[%multiple_of3A_19] : memref<323584xi32, #tpu.memory_space<hbm>> -> memref<128xi32, #tpu.memory_space<hbm>>
        %dma_start3A_25 = tpu.memref_slice %arg4[%multiple_of3A_19] : memref<323584xi32, #tpu.memory_space<hbm>> -> memref<128xi32, #tpu.memory_space<hbm>>
        tpu.enqueue_dma source(%dma_start3A_25 : memref<128xi32, #tpu.memory_space<hbm>>) target(%arg8 : memref<128xi32, #tpu.memory_space<vmem>>) target_semaphore(%run_scoped3A : memref<!tpu.dma_semaphore, #tpu.memory_space<semaphore_mem>>)
        %dma_wait3A_26 = tpu.memref_slice %arg4[%multiple_of3A_19] : memref<323584xi32, #tpu.memory_space<hbm>> -> memref<128xi32, #tpu.memory_space<hbm>>
        %dma_wait3A_27 = tpu.memref_slice %arg4[%multiple_of3A_19] : memref<323584xi32, #tpu.memory_space<hbm>> -> memref<128xi32, #tpu.memory_space<hbm>>
        tpu.wait_dma2 semaphore(%run_scoped3A : memref<!tpu.dma_semaphore, #tpu.memory_space<semaphore_mem>>) src(%dma_wait3A_27 : memref<128xi32, #tpu.memory_space<hbm>>) dst(%arg8 : memref<128xi32, #tpu.memory_space<vmem>>)
        tpu.yield
      }) : () -> ()
      %dma_start3A = arith.constant 0 : i32
      %dma_start3A_20 = arith.constant 0 : i32
      %dma_start3A_21 = tpu.memref_slice %arg2[%dma_start3A, %dma_start3A_20] : memref<10000x128xf32, #tpu.memory_space<hbm>> -> memref<10000x128xf32, #tpu.memory_space<hbm>>
      tpu.enqueue_indirect_dma source(%dma_start3A_21 : memref<10000x128xf32, #tpu.memory_space<hbm>>) target(%arg9 : memref<128x128xf32, #tpu.memory_space<vmem>>) offsets(%arg7 : memref<128xi32, #tpu.memory_space<vmem>>) semaphore(%arg11 : memref<!tpu.dma_semaphore, #tpu.memory_space<semaphore_mem>>)
      %dma_wait3A = arith.constant 0 : i32
      %dma_wait3A_22 = arith.constant 0 : i32
      %dma_wait3A_23 = tpu.memref_slice %arg2[%dma_wait3A, %dma_wait3A_22] : memref<10000x128xf32, #tpu.memory_space<hbm>> -> memref<10000x128xf32, #tpu.memory_space<hbm>>
      tpu.wait_indirect_dma semaphore(%arg11 : memref<!tpu.dma_semaphore, #tpu.memory_space<semaphore_mem>>) src(%dma_wait3A_23 : memref<10000x128xf32, #tpu.memory_space<hbm>>) dst(%arg9 : memref<128x128xf32, #tpu.memory_space<vmem>>)
      "tpu.region"() ({
        %run_scoped3A = tpu.sem_alloc : memref<!tpu.dma_semaphore, #tpu.memory_space<semaphore_mem>>
        %dma_start3A_24 = arith.constant 0 : i32
        %dma_start3A_25 = arith.constant 0 : i32
        %dma_start3A_26 = tpu.memref_slice %arg10[%dma_start3A_24, %dma_start3A_25] : memref<10112x128xf32, #tpu.memory_space<vmem_shared>> -> memref<10112x128xf32, #tpu.memory_space<vmem_shared>>
        tpu.enqueue_indirect_dma source(%arg9 : memref<128x128xf32, #tpu.memory_space<vmem>>) target(%dma_start3A_26 : memref<10112x128xf32, #tpu.memory_space<vmem_shared>>) offsets(%arg8 : memref<128xi32, #tpu.memory_space<vmem>>) semaphore(%run_scoped3A : memref<!tpu.dma_semaphore, #tpu.memory_space<semaphore_mem>>) {add = true}
        %dma_wait3A_27 = arith.constant 0 : i32
        %dma_wait3A_28 = arith.constant 0 : i32
        %dma_wait3A_29 = tpu.memref_slice %arg10[%dma_wait3A_27, %dma_wait3A_28] : memref<10112x128xf32, #tpu.memory_space<vmem_shared>> -> memref<10112x128xf32, #tpu.memory_space<vmem_shared>>
        tpu.wait_indirect_dma semaphore(%run_scoped3A : memref<!tpu.dma_semaphore, #tpu.memory_space<semaphore_mem>>) src(%arg9 : memref<128x128xf32, #tpu.memory_space<vmem>>) dst(%dma_wait3A_29 : memref<10112x128xf32, #tpu.memory_space<vmem_shared>>)
        tpu.yield
      }) : () -> ()
    }
    %scan3A_9 = arith.constant 79 : i32
    %barrier3A_10 = arith.constant 0 : index
    tpu.barrier barrier_id(%barrier3A_10)
    %mul3A_11 = arith.constant 10112 : i32
    %mul3A_12 = arith.muli %arg0, %mul3A_11 : i32
    %add3A_13 = arith.addi %mul3A_12, %multiple_of3A : i32
    %multiple_of3A_14 = tpu.assume_multiple %add3A_13, 8 : i32
    "tpu.region"() ({
      %run_scoped3A = tpu.sem_alloc : memref<!tpu.dma_semaphore, #tpu.memory_space<semaphore_mem>>
      %dma_start3A = arith.constant 0 : i32
      %dma_start3A_15 = tpu.memref_slice %arg6[%multiple_of3A_14, %dma_start3A] : memref<20224x128xf32, #tpu.memory_space<hbm>> -> memref<632x128xf32, #tpu.memory_space<hbm>>
      %dma_start3A_16 = arith.constant 0 : i32
      %dma_start3A_17 = tpu.memref_slice %arg10[%multiple_of3A, %dma_start3A_16] : memref<10112x128xf32, #tpu.memory_space<vmem_shared>> -> memref<632x128xf32, #tpu.memory_space<vmem_shared>>
      tpu.enqueue_dma source(%dma_start3A_17 : memref<632x128xf32, #tpu.memory_space<vmem_shared>>) target(%dma_start3A_15 : memref<632x128xf32, #tpu.memory_space<hbm>>) target_semaphore(%run_scoped3A : memref<!tpu.dma_semaphore, #tpu.memory_space<semaphore_mem>>)
      %dma_wait3A = arith.constant 0 : i32
      %dma_wait3A_18 = tpu.memref_slice %arg6[%multiple_of3A_14, %dma_wait3A] : memref<20224x128xf32, #tpu.memory_space<hbm>> -> memref<632x128xf32, #tpu.memory_space<hbm>>
      %dma_wait3A_19 = arith.constant 0 : i32
      %dma_wait3A_20 = tpu.memref_slice %arg10[%multiple_of3A, %dma_wait3A_19] : memref<10112x128xf32, #tpu.memory_space<vmem_shared>> -> memref<632x128xf32, #tpu.memory_space<vmem_shared>>
      tpu.wait_dma2 semaphore(%run_scoped3A : memref<!tpu.dma_semaphore, #tpu.memory_space<semaphore_mem>>) src(%dma_wait3A_20 : memref<632x128xf32, #tpu.memory_space<vmem_shared>>) dst(%dma_wait3A_18 : memref<632x128xf32, #tpu.memory_space<hbm>>)
      tpu.yield
    }) : () -> ()
    return
  }
}

module attributes {stable_mosaic.version = 14 : i64} {
  func.func @_layer_kernel(%arg0: i32, %arg1: memref<1000x128xf32, #tpu.memory_space<vmem>>, %arg2: memref<1000x128xf32, #tpu.memory_space<vmem>>, %arg3: memref<1000x128xf32, #tpu.memory_space<vmem>>, %arg4: memref<1000x16xf32, #tpu.memory_space<vmem>>, %arg5: memref<128x128xf32, #tpu.memory_space<vmem>>, %arg6: memref<1x128xf32, #tpu.memory_space<vmem>>, %arg7: memref<1000x128xf32, #tpu.memory_space<vmem>>, %arg8: memref<1000x128xf32, #tpu.memory_space<vmem>>) attributes {dimension_semantics = [#tpu.dimension_semantics<arbitrary>], iteration_bounds = array<i64: 10>, scalar_prefetch = 0 : i64, scratch_operands = 0 : i64, tpu.core_type = #tpu.core_type<tc>, window_params = [{transform_indices = @transform_0, window_bounds = array<i64: 1000, 128>}, {transform_indices = @transform_1, window_bounds = array<i64: 1000, 128>}, {transform_indices = @transform_2, window_bounds = array<i64: 1000, 128>}, {transform_indices = @transform_3, window_bounds = array<i64: 1000, 16>}, {pipeline_mode = #tpu.pipeline_mode<synchronous>, transform_indices = @transform_4, window_bounds = array<i64: 128, 128>}, {pipeline_mode = #tpu.pipeline_mode<synchronous>, transform_indices = @transform_5, window_bounds = array<i64: 1, 128>}, {transform_indices = @transform_6, window_bounds = array<i64: 1000, 128>}, {transform_indices = @transform_7, window_bounds = array<i64: 1000, 128>}]} {
    %get3A = arith.constant 0 : index
    %get3A_0 = arith.constant 0 : index
    %get3A_1 = vector.load %arg4[%get3A, %get3A_0] : memref<1000x16xf32, #tpu.memory_space<vmem>>, vector<1000x1xf32>
    %get3A_2 = arith.constant 0 : index
    %get3A_3 = arith.constant 0 : index
    %get3A_4 = vector.load %arg1[%get3A_2, %get3A_3] : memref<1000x128xf32, #tpu.memory_space<vmem>>, vector<1000x128xf32>
    %get3A_5 = arith.constant 0 : index
    %get3A_6 = arith.constant 0 : index
    %get3A_7 = vector.load %arg2[%get3A_5, %get3A_6] : memref<1000x128xf32, #tpu.memory_space<vmem>>, vector<1000x128xf32>
    %add3A = arith.addf %get3A_4, %get3A_7 : vector<1000x128xf32>
    %mul3A = vector.broadcast %get3A_1 : vector<1000x1xf32> to vector<1000x128xf32>
    %mul3A_8 = arith.mulf %mul3A, %add3A : vector<1000x128xf32>
    %mul3A_9 = arith.mulf %get3A_1, %get3A_1 : vector<1000x1xf32>
    %get3A_10 = arith.constant 0 : index
    %get3A_11 = arith.constant 0 : index
    %get3A_12 = vector.load %arg3[%get3A_10, %get3A_11] : memref<1000x128xf32, #tpu.memory_space<vmem>>, vector<1000x128xf32>
    %mul3A_13 = vector.broadcast %mul3A_9 : vector<1000x1xf32> to vector<1000x128xf32>
    %mul3A_14 = arith.mulf %mul3A_13, %get3A_12 : vector<1000x128xf32>
    %add3A_15 = arith.addf %mul3A_8, %mul3A_14 : vector<1000x128xf32>
    %get3A_16 = arith.constant 0 : index
    %get3A_17 = arith.constant 0 : index
    %get3A_18 = vector.load %arg5[%get3A_16, %get3A_17] : memref<128x128xf32, #tpu.memory_space<vmem>>, vector<128x128xf32>
    %dot_general3A = arith.constant dense<0.000000e+00> : vector<1000x128xf32>
    %dot_general3A_19 = tpu.matmul %add3A_15, %get3A_18, %dot_general3A {dimension_numbers = #tpu.dot_dimension_numbers<[1], [0], [0], [1], [0, 0, 1, 1], [], []>, transpose_lhs_hint = false} : vector<1000x128xf32>, vector<128x128xf32>, vector<1000x128xf32> -> vector<1000x128xf32>
    %get3A_20 = arith.constant 0 : index
    %get3A_21 = arith.constant 0 : index
    %get3A_22 = vector.load %arg6[%get3A_20, %get3A_21] : memref<1x128xf32, #tpu.memory_space<vmem>>, vector<1x128xf32>
    %add3A_23 = vector.broadcast %get3A_22 : vector<1x128xf32> to vector<1000x128xf32>
    %add3A_24 = arith.addf %dot_general3A_19, %add3A_23 : vector<1000x128xf32>
    %logistic3A = arith.negf %add3A_24 : vector<1000x128xf32>
    %logistic3A_25 = math.exp %logistic3A : vector<1000x128xf32>
    %logistic3A_26 = arith.constant 1.000000e+00 : f32
    %logistic3A_27 = vector.broadcast %logistic3A_26 : f32 to vector<1000x128xf32>
    %logistic3A_28 = arith.addf %logistic3A_27, %logistic3A_25 : vector<1000x128xf32>
    %logistic3A_29 = arith.divf %logistic3A_27, %logistic3A_28 : vector<1000x128xf32>
    %swap3A = arith.constant 0 : index
    %swap3A_30 = arith.constant 0 : index
    %swap3A_31 = vector.load %arg7[%swap3A, %swap3A_30] : memref<1000x128xf32, #tpu.memory_space<vmem>>, vector<1000x128xf32>
    tpu.vector_store %arg7[%swap3A, %swap3A_30], %logistic3A_29 {strides = array<i32>} : memref<1000x128xf32, #tpu.memory_space<vmem>>, vector<1000x128xf32>,
    %mul3A_32 = vector.broadcast %get3A_1 : vector<1000x1xf32> to vector<1000x128xf32>
    %mul3A_33 = arith.mulf %logistic3A_29, %mul3A_32 : vector<1000x128xf32>
    %swap3A_34 = arith.constant 0 : index
    %swap3A_35 = arith.constant 0 : index
    %swap3A_36 = vector.load %arg8[%swap3A_34, %swap3A_35] : memref<1000x128xf32, #tpu.memory_space<vmem>>, vector<1000x128xf32>
    tpu.vector_store %arg8[%swap3A_34, %swap3A_35], %mul3A_33 {strides = array<i32>} : memref<1000x128xf32, #tpu.memory_space<vmem>>, vector<1000x128xf32>,
    return
  }
  func.func @transform_0(%arg0: i32) -> (i32, i32) {
    %c0_i32 = arith.constant 0 : i32
    %c0_i32_0 = arith.constant 0 : i32
    return %arg0, %c0_i32 : i32, i32
  }
  func.func @transform_1(%arg0: i32) -> (i32, i32) {
    %c0_i32 = arith.constant 0 : i32
    %c0_i32_0 = arith.constant 0 : i32
    return %arg0, %c0_i32 : i32, i32
  }
  func.func @transform_2(%arg0: i32) -> (i32, i32) {
    %c0_i32 = arith.constant 0 : i32
    %c0_i32_0 = arith.constant 0 : i32
    return %arg0, %c0_i32 : i32, i32
  }
  func.func @transform_3(%arg0: i32) -> (i32, i32) {
    %c0_i32 = arith.constant 0 : i32
    %c0_i32_0 = arith.constant 0 : i32
    return %arg0, %c0_i32 : i32, i32
  }
  func.func @transform_4(%arg0: i32) -> (i32, i32) {
    %c0_i32 = arith.constant 0 : i32
    %c0_i32_0 = arith.constant 0 : i32
    %c0_i32_1 = arith.constant 0 : i32
    return %c0_i32, %c0_i32_0 : i32, i32
  }
  func.func @transform_5(%arg0: i32) -> (i32, i32) {
    %c0_i32 = arith.constant 0 : i32
    %c0_i32_0 = arith.constant 0 : i32
    %c0_i32_1 = arith.constant 0 : i32
    return %c0_i32, %c0_i32_0 : i32, i32
  }
  func.func @transform_6(%arg0: i32) -> (i32, i32) {
    %c0_i32 = arith.constant 0 : i32
    %c0_i32_0 = arith.constant 0 : i32
    return %arg0, %c0_i32 : i32, i32
  }
  func.func @transform_7(%arg0: i32) -> (i32, i32) {
    %c0_i32 = arith.constant 0 : i32
    %c0_i32_0 = arith.constant 0 : i32
    return %arg0, %c0_i32 : i32, i32
  }
}

module attributes {stable_mosaic.version = 14 : i64} {
  func.func @_scale_kernel(%arg0: i32, %arg1: memref<1000x128xf32, #tpu.memory_space<vmem>>, %arg2: memref<1000x128xf32, #tpu.memory_space<vmem>>, %arg3: memref<1000x128xf32, #tpu.memory_space<vmem>>, %arg4: memref<1000x128xf32, #tpu.memory_space<vmem>>, %arg5: memref<1000x16xf32, #tpu.memory_space<vmem>>) attributes {dimension_semantics = [#tpu.dimension_semantics<arbitrary>], iteration_bounds = array<i64: 10>, scalar_prefetch = 0 : i64, scratch_operands = 0 : i64, tpu.core_type = #tpu.core_type<tc>, window_params = [{transform_indices = @transform_0, window_bounds = array<i64: 1000, 128>}, {transform_indices = @transform_1, window_bounds = array<i64: 1000, 128>}, {transform_indices = @transform_2, window_bounds = array<i64: 1000, 128>}, {transform_indices = @transform_3, window_bounds = array<i64: 1000, 128>}, {transform_indices = @transform_4, window_bounds = array<i64: 1000, 16>}]} {
    %get3A = arith.constant 0 : index
    %get3A_0 = arith.constant 0 : index
    %get3A_1 = vector.load %arg1[%get3A, %get3A_0] : memref<1000x128xf32, #tpu.memory_space<vmem>>, vector<1000x1xf32>
    %get3A_2 = arith.constant 0 : index
    %get3A_3 = arith.constant 0 : index
    %get3A_4 = vector.load %arg2[%get3A_2, %get3A_3] : memref<1000x128xf32, #tpu.memory_space<vmem>>, vector<1000x1xf32>
    %add3A = arith.addf %get3A_1, %get3A_4 : vector<1000x1xf32>
    %add3A_5 = arith.constant 1.000000e+00 : f32
    %add3A_6 = vector.broadcast %add3A_5 : f32 to vector<1000x1xf32>
    %add3A_7 = arith.addf %add3A, %add3A_6 : vector<1000x1xf32>
    %max3A = arith.constant 1.000000e+00 : f32
    %max3A_8 = vector.broadcast %max3A : f32 to vector<1000x1xf32>
    %max3A_9 = arith.maximumf %add3A_7, %max3A_8 : vector<1000x1xf32>
    %rsqrt3A = math.rsqrt %max3A_9 : vector<1000x1xf32>
    %get3A_10 = arith.constant 0 : index
    %get3A_11 = arith.constant 0 : index
    %get3A_12 = vector.load %arg3[%get3A_10, %get3A_11] : memref<1000x128xf32, #tpu.memory_space<vmem>>, vector<1000x128xf32>
    %mul3A = vector.broadcast %rsqrt3A : vector<1000x1xf32> to vector<1000x128xf32>
    %mul3A_13 = arith.mulf %get3A_12, %mul3A : vector<1000x128xf32>
    %swap3A = arith.constant 0 : index
    %swap3A_14 = arith.constant 0 : index
    %swap3A_15 = vector.load %arg4[%swap3A, %swap3A_14] : memref<1000x128xf32, #tpu.memory_space<vmem>>, vector<1000x128xf32>
    tpu.vector_store %arg4[%swap3A, %swap3A_14], %mul3A_13 {strides = array<i32>} : memref<1000x128xf32, #tpu.memory_space<vmem>>, vector<1000x128xf32>,
    %broadcast_in_dim3A = vector.shape_cast %rsqrt3A : vector<1000x1xf32> to vector<1000x1xf32>
    %broadcast_in_dim3A_16 = vector.broadcast %broadcast_in_dim3A : vector<1000x1xf32> to vector<1000x16xf32>
    %swap3A_17 = arith.constant 0 : index
    %swap3A_18 = arith.constant 0 : index
    %swap3A_19 = vector.load %arg5[%swap3A_17, %swap3A_18] : memref<1000x16xf32, #tpu.memory_space<vmem>>, vector<1000x16xf32>
    tpu.vector_store %arg5[%swap3A_17, %swap3A_18], %broadcast_in_dim3A_16 {strides = array<i32>} : memref<1000x16xf32, #tpu.memory_space<vmem>>, vector<1000x16xf32>,
    return
  }
  func.func @transform_0(%arg0: i32) -> (i32, i32) {
    %c0_i32 = arith.constant 0 : i32
    %c0_i32_0 = arith.constant 0 : i32
    return %arg0, %c0_i32 : i32, i32
  }
  func.func @transform_1(%arg0: i32) -> (i32, i32) {
    %c0_i32 = arith.constant 0 : i32
    %c0_i32_0 = arith.constant 0 : i32
    return %arg0, %c0_i32 : i32, i32
  }
  func.func @transform_2(%arg0: i32) -> (i32, i32) {
    %c0_i32 = arith.constant 0 : i32
    %c0_i32_0 = arith.constant 0 : i32
    return %arg0, %c0_i32 : i32, i32
  }
  func.func @transform_3(%arg0: i32) -> (i32, i32) {
    %c0_i32 = arith.constant 0 : i32
    %c0_i32_0 = arith.constant 0 : i32
    return %arg0, %c0_i32 : i32, i32
  }
  func.func @transform_4(%arg0: i32) -> (i32, i32) {
    %c0_i32 = arith.constant 0 : i32
    %c0_i32_0 = arith.constant 0 : i32
    return %arg0, %c0_i32 : i32, i32
  }
}

module attributes {stable_mosaic.version = 14 : i64} {
  func.func @_final_kernel(%arg0: i32, %arg1: memref<1000x128xf32, #tpu.memory_space<vmem>>, %arg2: memref<1000x128xf32, #tpu.memory_space<vmem>>, %arg3: memref<1000x128xf32, #tpu.memory_space<vmem>>, %arg4: memref<1000x16xf32, #tpu.memory_space<vmem>>, %arg5: memref<128x128xf32, #tpu.memory_space<vmem>>, %arg6: memref<1x128xf32, #tpu.memory_space<vmem>>, %arg7: memref<128x128xf32, #tpu.memory_space<vmem>>, %arg8: memref<1x128xf32, #tpu.memory_space<vmem>>, %arg9: memref<128x64xf32, #tpu.memory_space<vmem>>, %arg10: memref<1x64xf32, #tpu.memory_space<vmem>>, %arg11: memref<1000x64xf32, #tpu.memory_space<vmem>>) attributes {dimension_semantics = [#tpu.dimension_semantics<arbitrary>], iteration_bounds = array<i64: 10>, scalar_prefetch = 0 : i64, scratch_operands = 0 : i64, tpu.core_type = #tpu.core_type<tc>, window_params = [{transform_indices = @transform_0, window_bounds = array<i64: 1000, 128>}, {transform_indices = @transform_1, window_bounds = array<i64: 1000, 128>}, {transform_indices = @transform_2, window_bounds = array<i64: 1000, 128>}, {transform_indices = @transform_3, window_bounds = array<i64: 1000, 16>}, {pipeline_mode = #tpu.pipeline_mode<synchronous>, transform_indices = @transform_4, window_bounds = array<i64: 128, 128>}, {pipeline_mode = #tpu.pipeline_mode<synchronous>, transform_indices = @transform_5, window_bounds = array<i64: 1, 128>}, {pipeline_mode = #tpu.pipeline_mode<synchronous>, transform_indices = @transform_6, window_bounds = array<i64: 128, 128>}, {pipeline_mode = #tpu.pipeline_mode<synchronous>, transform_indices = @transform_7, window_bounds = array<i64: 1, 128>}, {pipeline_mode = #tpu.pipeline_mode<synchronous>, transform_indices = @transform_8, window_bounds = array<i64: 128, 64>}, {pipeline_mode = #tpu.pipeline_mode<synchronous>, transform_indices = @transform_9, window_bounds = array<i64: 1, 64>}, {transform_indices = @transform_10, window_bounds = array<i64: 1000, 64>}]} {
    %get3A = arith.constant 0 : index
    %get3A_0 = arith.constant 0 : index
    %get3A_1 = vector.load %arg4[%get3A, %get3A_0] : memref<1000x16xf32, #tpu.memory_space<vmem>>, vector<1000x1xf32>
    %get3A_2 = arith.constant 0 : index
    %get3A_3 = arith.constant 0 : index
    %get3A_4 = vector.load %arg1[%get3A_2, %get3A_3] : memref<1000x128xf32, #tpu.memory_space<vmem>>, vector<1000x128xf32>
    %get3A_5 = arith.constant 0 : index
    %get3A_6 = arith.constant 0 : index
    %get3A_7 = vector.load %arg2[%get3A_5, %get3A_6] : memref<1000x128xf32, #tpu.memory_space<vmem>>, vector<1000x128xf32>
    %add3A = arith.addf %get3A_4, %get3A_7 : vector<1000x128xf32>
    %mul3A = vector.broadcast %get3A_1 : vector<1000x1xf32> to vector<1000x128xf32>
    %mul3A_8 = arith.mulf %mul3A, %add3A : vector<1000x128xf32>
    %mul3A_9 = arith.mulf %get3A_1, %get3A_1 : vector<1000x1xf32>
    %get3A_10 = arith.constant 0 : index
    %get3A_11 = arith.constant 0 : index
    %get3A_12 = vector.load %arg3[%get3A_10, %get3A_11] : memref<1000x128xf32, #tpu.memory_space<vmem>>, vector<1000x128xf32>
    %mul3A_13 = vector.broadcast %mul3A_9 : vector<1000x1xf32> to vector<1000x128xf32>
    %mul3A_14 = arith.mulf %mul3A_13, %get3A_12 : vector<1000x128xf32>
    %add3A_15 = arith.addf %mul3A_8, %mul3A_14 : vector<1000x128xf32>
    %get3A_16 = arith.constant 0 : index
    %get3A_17 = arith.constant 0 : index
    %get3A_18 = vector.load %arg5[%get3A_16, %get3A_17] : memref<128x128xf32, #tpu.memory_space<vmem>>, vector<128x128xf32>
    %dot_general3A = arith.constant dense<0.000000e+00> : vector<1000x128xf32>
    %dot_general3A_19 = tpu.matmul %add3A_15, %get3A_18, %dot_general3A {dimension_numbers = #tpu.dot_dimension_numbers<[1], [0], [0], [1], [0, 0, 1, 1], [], []>, transpose_lhs_hint = false} : vector<1000x128xf32>, vector<128x128xf32>, vector<1000x128xf32> -> vector<1000x128xf32>
    %get3A_20 = arith.constant 0 : index
    %get3A_21 = arith.constant 0 : index
    %get3A_22 = vector.load %arg6[%get3A_20, %get3A_21] : memref<1x128xf32, #tpu.memory_space<vmem>>, vector<1x128xf32>
    %add3A_23 = vector.broadcast %get3A_22 : vector<1x128xf32> to vector<1000x128xf32>
    %add3A_24 = arith.addf %dot_general3A_19, %add3A_23 : vector<1000x128xf32>
    %logistic3A = arith.negf %add3A_24 : vector<1000x128xf32>
    %logistic3A_25 = math.exp %logistic3A : vector<1000x128xf32>
    %logistic3A_26 = arith.constant 1.000000e+00 : f32
    %logistic3A_27 = vector.broadcast %logistic3A_26 : f32 to vector<1000x128xf32>
    %logistic3A_28 = arith.addf %logistic3A_27, %logistic3A_25 : vector<1000x128xf32>
    %logistic3A_29 = arith.divf %logistic3A_27, %logistic3A_28 : vector<1000x128xf32>
    %get3A_30 = arith.constant 0 : index
    %get3A_31 = arith.constant 0 : index
    %get3A_32 = vector.load %arg7[%get3A_30, %get3A_31] : memref<128x128xf32, #tpu.memory_space<vmem>>, vector<128x128xf32>
    %dot_general3A_33 = arith.constant dense<0.000000e+00> : vector<1000x128xf32>
    %dot_general3A_34 = tpu.matmul %logistic3A_29, %get3A_32, %dot_general3A_33 {dimension_numbers = #tpu.dot_dimension_numbers<[1], [0], [0], [1], [0, 0, 1, 1], [], []>, transpose_lhs_hint = false} : vector<1000x128xf32>, vector<128x128xf32>, vector<1000x128xf32> -> vector<1000x128xf32>
    %get3A_35 = arith.constant 0 : index
    %get3A_36 = arith.constant 0 : index
    %get3A_37 = vector.load %arg8[%get3A_35, %get3A_36] : memref<1x128xf32, #tpu.memory_space<vmem>>, vector<1x128xf32>
    %add3A_38 = vector.broadcast %get3A_37 : vector<1x128xf32> to vector<1000x128xf32>
    %add3A_39 = arith.addf %dot_general3A_34, %add3A_38 : vector<1000x128xf32>
    %max3A = arith.constant 0.000000e+00 : f32
    %max3A_40 = vector.broadcast %max3A : f32 to vector<1000x128xf32>
    %max3A_41 = arith.maximumf %add3A_39, %max3A_40 : vector<1000x128xf32>
    %get3A_42 = arith.constant 0 : index
    %get3A_43 = arith.constant 0 : index
    %get3A_44 = vector.load %arg9[%get3A_42, %get3A_43] : memref<128x64xf32, #tpu.memory_space<vmem>>, vector<128x64xf32>
    %dot_general3A_45 = arith.constant dense<0.000000e+00> : vector<1000x64xf32>
    %dot_general3A_46 = tpu.matmul %max3A_41, %get3A_44, %dot_general3A_45 {dimension_numbers = #tpu.dot_dimension_numbers<[1], [0], [0], [1], [0, 0, 1, 1], [], []>, transpose_lhs_hint = false} : vector<1000x128xf32>, vector<128x64xf32>, vector<1000x64xf32> -> vector<1000x64xf32>
    %get3A_47 = arith.constant 0 : index
    %get3A_48 = arith.constant 0 : index
    %get3A_49 = vector.load %arg10[%get3A_47, %get3A_48] : memref<1x64xf32, #tpu.memory_space<vmem>>, vector<1x64xf32>
    %add3A_50 = vector.broadcast %get3A_49 : vector<1x64xf32> to vector<1000x64xf32>
    %add3A_51 = arith.addf %dot_general3A_46, %add3A_50 : vector<1000x64xf32>
    %swap3A = arith.constant 0 : index
    %swap3A_52 = arith.constant 0 : index
    %swap3A_53 = vector.load %arg11[%swap3A, %swap3A_52] : memref<1000x64xf32, #tpu.memory_space<vmem>>, vector<1000x64xf32>
    tpu.vector_store %arg11[%swap3A, %swap3A_52], %add3A_51 {strides = array<i32>} : memref<1000x64xf32, #tpu.memory_space<vmem>>, vector<1000x64xf32>,
    return
  }
  func.func @transform_0(%arg0: i32) -> (i32, i32) {
    %c0_i32 = arith.constant 0 : i32
    %c0_i32_0 = arith.constant 0 : i32
    return %arg0, %c0_i32 : i32, i32
  }
  func.func @transform_1(%arg0: i32) -> (i32, i32) {
    %c0_i32 = arith.constant 0 : i32
    %c0_i32_0 = arith.constant 0 : i32
    return %arg0, %c0_i32 : i32, i32
  }
  func.func @transform_2(%arg0: i32) -> (i32, i32) {
    %c0_i32 = arith.constant 0 : i32
    %c0_i32_0 = arith.constant 0 : i32
    return %arg0, %c0_i32 : i32, i32
  }
  func.func @transform_3(%arg0: i32) -> (i32, i32) {
    %c0_i32 = arith.constant 0 : i32
    %c0_i32_0 = arith.constant 0 : i32
    return %arg0, %c0_i32 : i32, i32
  }
  func.func @transform_4(%arg0: i32) -> (i32, i32) {
    %c0_i32 = arith.constant 0 : i32
    %c0_i32_0 = arith.constant 0 : i32
    %c0_i32_1 = arith.constant 0 : i32
    return %c0_i32, %c0_i32_0 : i32, i32
  }
  func.func @transform_5(%arg0: i32) -> (i32, i32) {
    %c0_i32 = arith.constant 0 : i32
    %c0_i32_0 = arith.constant 0 : i32
    %c0_i32_1 = arith.constant 0 : i32
    return %c0_i32, %c0_i32_0 : i32, i32
  }
  func.func @transform_6(%arg0: i32) -> (i32, i32) {
    %c0_i32 = arith.constant 0 : i32
    %c0_i32_0 = arith.constant 0 : i32
    %c0_i32_1 = arith.constant 0 : i32
    return %c0_i32, %c0_i32_0 : i32, i32
  }
  func.func @transform_7(%arg0: i32) -> (i32, i32) {
    %c0_i32 = arith.constant 0 : i32
    %c0_i32_0 = arith.constant 0 : i32
    %c0_i32_1 = arith.constant 0 : i32
    return %c0_i32, %c0_i32_0 : i32, i32
  }
  func.func @transform_8(%arg0: i32) -> (i32, i32) {
    %c0_i32 = arith.constant 0 : i32
    %c0_i32_0 = arith.constant 0 : i32
    %c0_i32_1 = arith.constant 0 : i32
    return %c0_i32, %c0_i32_0 : i32, i32
  }
  func.func @transform_9(%arg0: i32) -> (i32, i32) {
    %c0_i32 = arith.constant 0 : i32
    %c0_i32_0 = arith.constant 0 : i32
    %c0_i32_1 = arith.constant 0 : i32
    return %c0_i32, %c0_i32_0 : i32, i32
  }
  func.func @transform_10(%arg0: i32) -> (i32, i32) {
    %c0_i32 = arith.constant 0 : i32
    %c0_i32_0 = arith.constant 0 : i32
    return %arg0, %c0_i32 : i32, i32
  }
}

</mosaic_0001>

<sc_bundles>
// kernel: kernel.11.cloned.1.call-start
scs
__scs_entry_jumppad:
0x0: {  	(pc) =	sbr.rel $0x88, $3  }
0x1: {  	(tag) =	ssettag $0x0;
	lr =	simm.s32 $0x1  }
0x2: {  	[smem:$0x3F97] =	sst lr;
	_ =	strace $0xD0000000  }
0x3: {  	_ = 	snop  }
0x4: {  	_ = 	snop  }
0x5: {  	_ = 	snop  }
0x6: {  	_ = 	snop  }
0x7: {  	_ = 	snop  }
__scs_overlays_trampoline_lowered:
0x8: {  	[smem:$0x3FA6] =	sst s0  }
0x9: {  	[smem:$0x3FA7] =	sst s1  }
0xa: {  	[smem:$0x3FA8] =	sst s2  }
0xb: {  	[smem:$0x3FA9] =	sst s3  }
0xc: {  	[smem:$0x3FAA] =	sst s4  }
0xd: {  	[smem:$0x3FAB] =	sst s5  }
0xe: {  	[smem:$0x3FAC] =	sst s6  }
0xf: {  	[smem:$0x3FAD] =	sst s7  }
0x10: {  	[smem:$0x3FAE] =	sst s8  }
0x11: {  	[smem:$0x3FAF] =	sst s9;
	s0 =	simm.s32 @!p0 $0x0  }
0x12: {  	s1 =	sld [smem:$0x3F95];
	s0 =	simm.s32 @p0 $0x1  }
0x13: {  	[smem:$0x3FB0] =	sst s0;
	s0 =	simm.s32 @!p1 $0x0  }
0x14: {  	s2 =	sld [smem:$0x3F94];
	s0 =	simm.s32 @p1 $0x1  }
0x15: {  	[smem:$0x3FB1] =	sst s0;
	s0 =	simm.s32 @!p2 $0x0  }
0x16: {  	s3 =	sld [smem:$0x3FDB];
	s0 =	simm.s32 @p2 $0x1  }
0x17: {  	s4 =	simm.s32 $0x1BF5;
	[smem:$0x3FB3] =	sst s0  }
0x18: {  	s0 =	sld [smem:$0x3F96];
	_ =	swait.ge [sflag:s4], $0x0  }
0x19: {  	s7 =	sld [smem:$0x3F97]  }
0x1a: {  	s8 =	sadd.s32 $0xFFFFE003, lr  }
0x1b: {  	s9 =	sadd.s32 $0xFFFFFEF7, lr;
	s5 =	simm.s32 $0xFFFFFFFF;
	p2 =	slt.u32 s8, $0xFFFFF086  }
0x1c: {  	p1 =	slt.u32 s9, $0xF7A;
	s5 =	simm.s32 @!p2 $0x0  }
0x1d: {  	s5 =	simm.s32 @p1 $0x1;
	p0 =	seq.s32 s7, s2  }
0x1e: {  	s7 =	smul.u32 @!p0 $0xF7A, s2;
	p2 =	seq.s32 @!p0 s5, $0x0  }
0x1f: {  	s9 =	smul.u32 $0xF7A, s1;
	s8 =	simm.s32 @!p0 $0x1BF5;
	p2 =	por !p2, p0  }
0x20: {  	[sflag:s8] =	ssyncset.s32 @!p0 $0xFFFFF086;
	s6 =	sadd.s32 @!p0 s3, s7;
	s7 =	simm.s32 @!p0 $0x108  }
0x21: {  	s3 =	sadd.s32 s3, s9;
	s6 =	sadd.s32 @!p0 $0x88, s6;
	s7 =	simm.s32 @p2 $0x1082  }
0x22: {  	[simem:s7], [sflag:s8] =	dma.local @!p0 [hbm:s6], $0xF7A  }
0x23: {  	s9 =	sor.u32 $0xD0000000, s2;
	s6 =	simm.s32 $0x108;
	_ =	swait.ge @!p0 [sflag:s8], $0x0  }
0x24: {  	s3 =	sadd.s32 $0x88, s3;
	s6 =	simm.s32 @!p1 $0x1082;
	[sflag:s4] =	ssyncset.s32 $0xFFFFF086  }
0x25: {  	[simem:s6], [sflag:s4] =	dma.local [hbm:s3], $0xF7A  }
0x26: {  	[smem:$0x3F97] =	sst s1;
	(tag) =	ssettag s2;
	_ =	strace s9  }
0x27: {  	s1 =	sld [smem:$0x3FA7]  }
0x28: {  	s2 =	sld [smem:$0x3FA8]  }
0x29: {  	s4 =	sld [smem:$0x3FAA]  }
0x2a: {  	p0 =	seq.s32 s5, $0x0;
	s5 =	sld [smem:$0x3FAB]  }
0x2b: {  	s6 =	sld [smem:$0x3FAC]  }
0x2c: {  	s7 =	sld [smem:$0x3FAD]  }
0x2d: {  	s3 =	simm.s32 $0x108;
	s8 =	sld [smem:$0x3FAE]  }
0x2e: {  	s3 =	simm.s32 @!p0 $0x1082;
	s9 =	sld [smem:$0x3FAF]  }
0x2f: {  	lr =	sadd.s32 s0, s3;
	s0 =	sld [smem:$0x3FA6]  }
0x30: {  	s3 =	sld [smem:$0x3FA9]  }
0x31: {  	[smem:$0x3FB2] =	sst s10  }
0x32: {  	s10 =	sld [smem:$0x3FB0];
	_ =	sdelay $0x3  }
0x33: {  	p0 =	seq.s32 s10, $0x1;
	s10 =	sld [smem:$0x3FB2];
	_ =	sdelay $0x3  }
0x34: {  	[smem:$0x3FB2] =	sst s10  }
0x35: {  	s10 =	sld [smem:$0x3FB1];
	_ =	sdelay $0x3  }
0x36: {  	p1 =	seq.s32 s10, $0x1;
	s10 =	sld [smem:$0x3FB2];
	_ =	sdelay $0x3  }
0x37: {  	[smem:$0x3FB2] =	sst s10  }
0x38: {  	s10 =	sld [smem:$0x3FB3]  }
0x39: {  	_ = 	snop;
	(pc) =	sbr.ind lr, $3  }
0x3a: {  	_ = 	snop  }
0x3b: {  	_ = 	snop  }
0x3c: {  	p2 =	seq.s32 s10, $0x1;
	s10 =	sld [smem:$0x3FB2]  }
0x3d: {  	_ =	shalt  }
0x3e: {  	_ =	shalt  }
0x3f: {  	_ =	shalt  }
0x40: {  	_ =	shalt  }
0x41: {  	_ =	shalt  }
0x42: {  	_ =	shalt  }
0x43: {  	_ =	shalt  }
0x44: {  	_ =	shalt  }
0x45: {  	_ =	shalt  }
0x46: {  	_ =	shalt  }
0x47: {  	_ =	shalt  }
0x48: {  	_ =	shalt  }
0x49: {  	_ =	shalt  }
0x4a: {  	_ =	shalt  }
0x4b: {  	_ =	shalt  }
0x4c: {  	_ =	shalt  }
0x4d: {  	_ =	shalt  }
0x4e: {  	_ =	shalt  }
0x4f: {  	_ =	shalt  }
0x50: {  	_ =	shalt  }
0x51: {  	_ =	shalt  }
0x52: {  	_ =	shalt  }
0x53: {  	_ =	shalt  }
0x54: {  	_ =	shalt  }
0x55: {  	_ =	shalt  }
0x56: {  	_ =	shalt  }
0x57: {  	_ =	shalt  }
0x58: {  	_ =	shalt  }
0x59: {  	_ =	shalt  }
0x5a: {  	_ =	shalt  }
0x5b: {  	_ =	shalt  }
0x5c: {  	_ =	shalt  }
0x5d: {  	_ =	shalt  }
0x5e: {  	_ =	shalt  }
0x5f: {  	_ =	shalt  }
0x60: {  	_ =	shalt  }
0x61: {  	_ =	shalt  }
0x62: {  	_ =	shalt  }
0x63: {  	_ =	shalt  }
0x64: {  	_ =	shalt  }
0x65: {  	_ =	shalt  }
0x66: {  	_ =	shalt  }
0x67: {  	_ =	shalt  }
0x68: {  	_ =	shalt  }
0x69: {  	_ =	shalt  }
0x6a: {  	_ =	shalt  }
0x6b: {  	_ =	shalt  }
0x6c: {  	_ =	shalt  }
0x6d: {  	_ =	shalt  }
0x6e: {  	_ =	shalt  }
0x6f: {  	_ =	shalt  }
0x70: {  	_ =	shalt  }
0x71: {  	_ =	shalt  }
0x72: {  	_ =	shalt  }
0x73: {  	_ =	shalt  }
0x74: {  	_ =	shalt  }
0x75: {  	_ =	shalt  }
0x76: {  	_ =	shalt  }
0x77: {  	_ =	shalt  }
0x78: {  	_ =	shalt  }
0x79: {  	_ =	shalt  }
0x7a: {  	_ =	shalt  }
0x7b: {  	_ =	shalt  }
0x7c: {  	_ =	shalt  }
0x7d: {  	_ =	shalt  }
0x7e: {  	_ =	shalt  }
0x7f: {  	_ =	shalt  }
0x80: {  	_ =	shalt  }
0x81: {  	_ =	shalt  }
0x82: {  	_ =	shalt  }
0x83: {  	_ =	shalt  }
0x84: {  	_ =	shalt  }
0x85: {  	_ =	shalt  }
0x86: {  	_ =	shalt  }
0x87: {  	_ =	shalt  }
.Lfunc_end0:
.L_simem_size_0:
called_computation.1_lowered:
.L_overlay_start_0:
0x88: {  	s2 =	sld [smem:$0x3FD9]  }
0x89: {  	s3 =	sld [smem:$0x3FFE];
	_ =	sdelay $0x1  }
0x8a: {  	s1 =	srdreg.scid  }
0x8b: {  	s0 =	sand.u32 $0x1, s1  }
0x8c: {  	s17 =	sshll.u32 s0, $0xA;
	s2 =	sadd.s32 s3, s2  }
0x8d: {  	s2 =	sadd.s32 s2, s17  }
0x8e: {  	[smem:$0x3FBE] =	sst s2  }
0x8f: {  	_ = 	snop  }
0x90: {  	s2 =	sld [smem:$0x3FD0];
	(tm) =	ssettm $0x1  }
0x91: {  	s18 =	sld [smem:$0x3FFB];
	_ =	sdelay $0x3  }
0x92: {  	_ =	strace s18  }
0x93: {  	s3 =	sld [smem:$0x3FFC];
	_ =	sdelay $0x3  }
0x94: {  	_ =	strace s3  }
0x95: {  	s3 =	sld [smem:$0x3FFD];
	_ =	sdelay $0x3  }
0x96: {  	_ =	strace s3  }
0x97: {  	_ =	strace $0x8FFFFFFF  }
0x98: {  	s19 =	sld [smem:$0x3FDB];
	_ =	sdelay $0x1  }
0x99: {  	s4 =	simm.s32 $_scs_section_size  }
0x9a: {  	s5 =	simm.s32 $_size__tile_overlayer_lowered;
	s6 =	simm.s32 $_tile_overlayer_lowered  }
0x9b: {  	s22 =	simm.s32 $0x1BFF;
	s21 =	sshll.u32 s6, $0x1;
	s3 =	sadd.s32 s4, s19  }
0x9c: {  	s7 =	simm.s32 $0x0;
	s20 =	sshll.u32 s5, $0x1;
	s5 =	sadd.s32 s21, s3  }
0x9d: {  	[timem:s7], [sflag:s22] =	dma.local [hbm:s5], s20  }
0x9e: {  	_ =	swait.ge [sflag:s22], s20  }
0x9f: {  	s4 =	ssub.s32 $0x0, s20;
	[sflag:s22] =	ssyncset.done $0x0  }
0xa0: {  	[sflag:s22] =	ssyncadd.s32 s4;
	_ =	sdelay $0x1  }
0xa1: {  	s23 =	simm.s32 $0x1B8B  }
0xa2: {  	_ =	swait.ge [sflag:s23], $0x1  }
0xa3: {  	[sflag:s23] =	ssyncset.done $0x0  }
0xa4: {  	s25 =	simm.s32 $0x1B8E;
	s24 =	sld [smem:$0x3FFE];
	[sflag:s23] =	ssyncadd.s32 $0xFFFFFFFF  }
0xa5: {  	s26 =	simm.s32 $execute0_lowered;
	[smem:$0x3FD2] =	sst s25  }
0xa6: {  	s5 =	sshll.u32 s26, $0x1;
	_ =	strace $0x80000049;
	[dreg:$0x1] =	wrdreg $0xFFFFFFFF  }
0xa7: {  	s28 =	simm.s32 $_size_execute0_lowered;
	s3 =	sadd.s32 s3, s5;
	[dreg:$0x0] =	wrdreg $0x0  }
0xa8: {  	s5 =	sshll.u32 s28, $0x1;
	[dreg:$0x2] =	wrdreg s3  }
0xa9: {  	[dreg:$0x3] =	wrdreg s5  }
0xaa: {  	[dreg:$0x4] =	wrdreg $0xC0  }
0xab: {  	_ =	task [dreg:s7], $0x5FFFF  }
0xac: {  	[dreg:$0x1] =	wrdreg $0xFFFFFFFF  }
0xad: {  	[dreg:$0x0] =	wrdreg $0x60  }
0xae: {  	[dreg:$0x2] =	wrdreg s24  }
0xaf: {  	[dreg:$0x3] =	wrdreg s2  }
0xb0: {  	[dreg:$0x4] =	wrdreg $0x41000  }
0xb1: {  	[dreg:$0x5] =	wrdreg $0x9  }
0xb2: {  	_ =	task.clear_ibuf [dreg:s7], $0x6FFFF;
	_ =	strace $0x90000049  }
0xb3: {  	s29 =	simm.s32 $0x9;
	_ =	strace $0x8000004B  }
0xb4: {  	_ =	swait.ge [sflag:s29], $0x1  }
0xb5: {  	[sflag:s29] =	ssyncadd.s32 $0xFFFFFFFF  }
0xb6: {  	_ =	strace $0x9000004B  }
0xb7: {  	_ =	sfence  }
0xb8: {  	s30 =	sld [smem:$0x0];
	_ =	sdelay $0x2  }
0xb9: {  	s31 =	sshll.u32 s1, $0xD;
	s1 =	sshrl.u32 s1, $0x2  }
0xba: {  	s3 =	sand.u32 $0x4000, s31;
	s1 =	sadd.s32 s1, s30  }
0xbb: {  	s0 =	sor.u32 s3, s0;
	s1 =	sshll.u32 s1, $0x11  }
0xbc: {  	s0 =	sor.u32 s1, s0  }
0xbd: {  	s0 =	sadd.s32 $0x8F2B, s0  }
0xbe: {  	[sflag:s0] =	ssyncadd.remote.s32 $0x1  }
0xbf: {  	_ =	sfence.sel $0xFFFF  }
0xc0: {  	[dreg:$0x0] =	wrdreg $0xFFFFFFFF;
	(pc) =	sbr.abs _section_cstart, $3  }
0xc1: {  	[dreg:$0x1] =	wrdreg $0xFFFFFFFF  }
0xc2: {  	_ =	task.clear_ibuf [dreg:s7], $0x2FFFF;
	_ =	strace $0x9FFFFFFF  }
0xc3: {  	(tm) =	ssettm $0x7FFFFFFF  }
tec
execute0_lowered:
.L_overlay_start_1:
0x0: {  	(tag) =	ssettag $0x1  }
0x1: {  	s5 =	rddreg [dreg:$0x0]  }
0x2: {  	s8 =	rddreg [dreg:$0x1]  }
0x3: {  	s1 =	rddreg [dreg:$0x2];
	s2 =	srdreg.scid  }
0x4: {  	s0 =	rddreg [dreg:$0x3];
	s3 =	simm.s32 $0x0;
	s6 =	sand.u32 $0x1, s2  }
0x5: {  	s15 =	simm.s32 $0x1;
	s2 =	stileid.u32;
	s9 =	smul.u32 $0x4F00, s6  }
0x6: {  	s16 =	simm.s32 $0x0;
	[smem:$0x7FF] =	sst s3;
	s7 =	smul.u32 $0x2780, s2  }
0x7: {  	s4 =	sadd.s32 $0x29C00, s5;
	_ =	strace $0x8000004A;
	s10 =	smul.u32 $0x27800, s6  }
0x8: {  	s6 =	ssub.s32 $0x2, s6;
	s13 =	smul.u32 $0x4F000, s2;
	s29 =	sshll.u32 s2, $0x6  }
0x9: {  	s30 =	smul.u32 $0x4F0, s2;
	s12 =	sshrl.u32 s6, $0x1;
	s11 =	sadd.s32 s9, s5  }
0xa: {  	s10 =	sadd.s32 s7, s10;
	s7 =	sadd.s32 s7, s5;
	s12 =	ssub.s32 s6, s12  }
0xb: {  	s28 =	sshrl.u32 s13, $0x2;
	s6 =	sor.u32 $0x1C02, s29;
	s9 =	sadd.s32 s9, s8  }
0xc: {  	s13 =	simm.s32 $0x80;
	s10 =	sadd.s32 s10, s5;
	s14 =	sadd.s32 s28, s1  }
0xd: {  	s5 =	sadd.s32 $0x2400, s7;
	s31 =	sadd.s32 s30, s11;
	s8 =	smax.u32 s12, $0x1  }
0xe: {  	s9 =	sadd.s32 s30, s9;
	s12 =	simm.s32 $0x2;
	s7 =	sadd.s32 $0x83200, s10  }
0xf: {  	s10 =	sadd.s32 $0x79400, s31;
	s11 =	sshrl.u32 s14, $0x3;
	s14 =	simm.s32 $0x100  }
.LBB2_1:
0x10: {  	[spmem:s11], [sflag:s6] =	dma.local [hbm:s5], $0x2780  }
0x11: {  	_ =	swait.ge [sflag:s12], $0x2780  }
0x12: {  	[sflag:s12] =	ssyncset.done $0x0  }
0x13: {  	[sflag:s12] =	ssyncadd.s32 $0xFFFFD880  }
0x14: {  	s17 =	sadd.s32 $0x0, s10;
	[bflag:$0x0] =	sbarrier.arrive $0xFFFF  }
0x15: {  	[tilespmem:s3], [sflag:$0x2] =	stream.linear.gather [hbm4b:s17+s3], $0x80, $0x38;
	[tilespmem:$0x17D00] =	vst v63  }
0x16: {  	_ =	swait.ge [sflag:s12], $0x80  }
0x17: {  	[sflag:s12] =	ssyncset.done $0x0  }
0x18: {  	s31 =	sadd.s32 $0x0, s9;
	[sflag:s12] =	ssyncadd.s32 $0xFFFFFF80  }
0x19: {  	[tilespmem:s13], [sflag:$0x2] =	stream.linear.gather [hbm4b:s31+s3], $0x80, $0x38;
	[tilespmem:$0x17D00] =	vst v63  }
0x1a: {  	_ =	swait.ge [sflag:s12], $0x80  }
0x1b: {  	[sflag:s12] =	ssyncset.done $0x0  }
0x1c: {  	[sflag:s12] =	ssyncadd.s32 $0xFFFFFF80  }
0x1d: {  	[tilespmem:s14], [sflag:$0x1] =	stream.indirect.gather [hbm4b:s4+s13], $0x80, s3, s13, $0xb8;
	[tilespmem:$0x17D00] =	vst v63  }
0x1e: {  	_ =	swait.ge [sflag:s15], $0x4000  }
0x1f: {  	[sflag:s15] =	ssyncset.done $0x0  }
0x20: {  	[sflag:s15] =	ssyncadd.s32 $0xFFFFC000  }
0x21: {  	[spmem:s1] =	stream.indirect.scatter.add.f32 [tilespmem:s14], [sflag:$0x2], $0x80, s13, s13, $0xb8;
	[tilespmem:$0x17D00] =	vst v63  }
0x22: {  	_ =	swait.ge [sflag:s12], $0x4000  }
0x23: {  	s18 =	simm.s32 $0x20;
	s17 =	simm.s32 $0x10;
	[sflag:s12] =	ssyncset.done $0x0  }
.LBB2_2:
0x24: {  	s19 =	sadd.s32 s17, s10  }
0x25: {  	[sflag:s12] =	ssyncadd.s32 $0xFFFFC000;
	s20 =	smov.u32 s18;
	s21 =	sadd.s32 $0x10, s18  }
0x26: {  	[tilespmem:s3], [sflag:$0x2] =	stream.linear.gather [hbm4b:s19+s3], $0x80, $0x38;
	[tilespmem:$0x17D00] =	vst v63  }
0x27: {  	p0 =	sne.s32 s18, $0x4E0;
	_ =	swait.ge [sflag:s12], $0x80  }
0x28: {  	[sflag:s12] =	ssyncset.done $0x0  }
0x29: {  	s18 =	sadd.s32 s17, s9;
	s17 =	smov.u32 s20;
	[sflag:s12] =	ssyncadd.s32 $0xFFFFFF80  }
0x2a: {  	[tilespmem:s13], [sflag:$0x2] =	stream.linear.gather [hbm4b:s18+s3], $0x80, $0x38;
	[tilespmem:$0x17D00] =	vst v63  }
0x2b: {  	_ =	swait.ge [sflag:s12], $0x80  }
0x2c: {  	[sflag:s12] =	ssyncset.done $0x0  }
0x2d: {  	[sflag:s12] =	ssyncadd.s32 $0xFFFFFF80  }
0x2e: {  	[tilespmem:s14], [sflag:$0x1] =	stream.indirect.gather [hbm4b:s4+s13], $0x80, s3, s13, $0xb8;
	[tilespmem:$0x17D00] =	vst v63  }
0x2f: {  	_ =	swait.ge [sflag:s15], $0x4000  }
.Ltmp0:
0x30: {  	[sflag:s15] =	ssyncset.done $0x0;
	(pc) =	sbr.rel @p0 .LBB2_2-.Ltmp0, $4  }
0x31: {  	[sflag:s15] =	ssyncadd.s32 $0xFFFFC000  }
0x32: {  	[spmem:s1] =	stream.indirect.scatter.add.f32 [tilespmem:s14], [sflag:$0x2], $0x80, s13, s13, $0xb8;
	[tilespmem:$0x17D00] =	vst v63  }
0x33: {  	_ =	swait.ge [sflag:s12], $0x4000  }
0x34: {  	s18 =	smov.u32 s21;
	[sflag:s12] =	ssyncset.done $0x0  }
0x35: {  	s18 =	sadd.s32 s17, s10;
	[sflag:s12] =	ssyncadd.s32 $0xFFFFC000  }
0x36: {  	[tilespmem:s3], [sflag:$0x2] =	stream.linear.gather [hbm4b:s18+s3], $0x80, $0x38;
	[tilespmem:$0x17D00] =	vst v63  }
0x37: {  	_ =	swait.ge [sflag:s12], $0x80  }
0x38: {  	[sflag:s12] =	ssyncset.done $0x0  }
0x39: {  	s31 =	sadd.s32 s17, s9;
	[sflag:s12] =	ssyncadd.s32 $0xFFFFFF80  }
0x3a: {  	[tilespmem:s13], [sflag:$0x2] =	stream.linear.gather [hbm4b:s31+s3], $0x80, $0x38;
	[tilespmem:$0x17D00] =	vst v63  }
0x3b: {  	_ =	swait.ge [sflag:s12], $0x80  }
0x3c: {  	[sflag:s12] =	ssyncset.done $0x0  }
0x3d: {  	[sflag:s12] =	ssyncadd.s32 $0xFFFFFF80  }
0x3e: {  	[tilespmem:s14], [sflag:$0x1] =	stream.indirect.gather [hbm4b:s4+s13], $0x80, s3, s13, $0xb8;
	[tilespmem:$0x17D00] =	vst v63  }
0x3f: {  	_ =	swait.ge [sflag:s15], $0x4000  }
0x40: {  	[sflag:s15] =	ssyncset.done $0x0  }
0x41: {  	[sflag:s15] =	ssyncadd.s32 $0xFFFFC000  }
0x42: {  	[spmem:s1] =	stream.indirect.scatter.add.f32 [tilespmem:s14], [sflag:$0x2], $0x80, s13, s13, $0xb8;
	[tilespmem:$0x17D00] =	vst v63  }
0x43: {  	_ =	swait.ge [sflag:s12], $0x4000  }
0x44: {  	s16 =	sadd.s32 $0x1, s16;
	[sflag:s12] =	ssyncset.done $0x0  }
0x45: {  	p0 =	sne.s32 s16, s8;
	[sflag:s12] =	ssyncadd.s32 $0xFFFFC000  }
.Ltmp1:
0x46: {  	[bflag:$0x0] =	sbarrier.arrive $0xFFFF;
	(pc) =	sbr.rel @p0 .LBB2_1-.Ltmp1, $4  }
0x47: {  	[hbm:s7], [sflag:s6] =	dma.local [spmem:s11], $0x2780  }
0x48: {  	_ =	swait.ge [sflag:s12], $0x2780  }
0x49: {  	[sflag:s12] =	ssyncset.done $0x0  }
0x4a: {  	[sflag:s12] =	ssyncadd.s32 $0xFFFFD880  }
0x4b: {  	_ =	sfence.sel $0x180000  }
0x4c: {  	[bflag:$0x0] =	sbarrier.arrive $0xFFFF  }
0x4d: {  	p0 =	sne.s32 s2, $0x0;
	_ =	strace $0x9000004A  }
0x4e: {  	s0 =	sadd.s32 @!p0 $0x100000, s0;
	[bflag:$0x2] =	sbarrier.arrive $0xFFFF  }
0x4f: {  	[sflag:s0] =	ssyncadd.tile.s32 @!p0 $0x1;
	_ =	shalt  }
.Lfunc_end2:
_tile_overlayer_lowered:
.L_overlay_start_2:
0x50: {  	(tag) =	ssettag $0x2  }
0x51: {  	s0 =	rddreg [dreg:$0x0];
	s2 =	stileid.u32  }
0x52: {  	s1 =	rddreg [dreg:$0x1];
	p0 =	sne.s32 s2, $0x0  }
0x53: {  	s3 =	rddreg [dreg:$0x2];
	[bflag:$0x3] =	sbarrier.arrive $0xFFFF;
	s2 =	simm.s32 @!p0 $0x1C02  }
0x54: {  	[timem:s3], [sflag:s2] =	dma.local @!p0 [hbm:s0], s1  }
0x55: {  	s0 =	simm.s32 @!p0 $0x2  }
0x56: {  	_ =	swait.ge @!p0 [sflag:s0], s1  }
0x57: {  	s1 =	ssub.s32 @!p0 $0x0, s1;
	[sflag:s0] =	ssyncset.done @!p0 $0x0  }
0x58: {  	[sflag:s0] =	ssyncadd.s32 @!p0 s1  }
0x59: {  	[bflag:$0x3] =	sbarrier.arrive $0xFFFF  }
0x5a: {  	_ =	shalt  }

// kernel: kernel.14.cloned.1.call-start
scs
__scs_entry_jumppad:
0x0: {  	(pc) =	sbr.rel $0x88, $3  }
0x1: {  	(tag) =	ssettag $0x0;
	lr =	simm.s32 $0x1  }
0x2: {  	[smem:$0x3F97] =	sst lr;
	_ =	strace $0xD0000000  }
0x3: {  	_ = 	snop  }
0x4: {  	_ = 	snop  }
0x5: {  	_ = 	snop  }
0x6: {  	_ = 	snop  }
0x7: {  	_ = 	snop  }
__scs_overlays_trampoline_lowered:
0x8: {  	[smem:$0x3FA6] =	sst s0  }
0x9: {  	[smem:$0x3FA7] =	sst s1  }
0xa: {  	[smem:$0x3FA8] =	sst s2  }
0xb: {  	[smem:$0x3FA9] =	sst s3  }
0xc: {  	[smem:$0x3FAA] =	sst s4  }
0xd: {  	[smem:$0x3FAB] =	sst s5  }
0xe: {  	[smem:$0x3FAC] =	sst s6  }
0xf: {  	[smem:$0x3FAD] =	sst s7  }
0x10: {  	[smem:$0x3FAE] =	sst s8  }
0x11: {  	[smem:$0x3FAF] =	sst s9;
	s0 =	simm.s32 @!p0 $0x0  }
0x12: {  	s1 =	sld [smem:$0x3F95];
	s0 =	simm.s32 @p0 $0x1  }
0x13: {  	[smem:$0x3FB0] =	sst s0;
	s0 =	simm.s32 @!p1 $0x0  }
0x14: {  	s2 =	sld [smem:$0x3F94];
	s0 =	simm.s32 @p1 $0x1  }
0x15: {  	[smem:$0x3FB1] =	sst s0;
	s0 =	simm.s32 @!p2 $0x0  }
0x16: {  	s3 =	sld [smem:$0x3FDB];
	s0 =	simm.s32 @p2 $0x1  }
0x17: {  	s4 =	simm.s32 $0x1BF5;
	[smem:$0x3FB3] =	sst s0  }
0x18: {  	s0 =	sld [smem:$0x3F96];
	_ =	swait.ge [sflag:s4], $0x0  }
0x19: {  	s7 =	sld [smem:$0x3F97]  }
0x1a: {  	s8 =	sadd.s32 $0xFFFFE003, lr  }
0x1b: {  	s9 =	sadd.s32 $0xFFFFFEF7, lr;
	s5 =	simm.s32 $0xFFFFFFFF;
	p2 =	slt.u32 s8, $0xFFFFF086  }
0x1c: {  	p1 =	slt.u32 s9, $0xF7A;
	s5 =	simm.s32 @!p2 $0x0  }
0x1d: {  	s5 =	simm.s32 @p1 $0x1;
	p0 =	seq.s32 s7, s2  }
0x1e: {  	s7 =	smul.u32 @!p0 $0xF7A, s2;
	p2 =	seq.s32 @!p0 s5, $0x0  }
0x1f: {  	s9 =	smul.u32 $0xF7A, s1;
	s8 =	simm.s32 @!p0 $0x1BF5;
	p2 =	por !p2, p0  }
0x20: {  	[sflag:s8] =	ssyncset.s32 @!p0 $0xFFFFF086;
	s6 =	sadd.s32 @!p0 s3, s7;
	s7 =	simm.s32 @!p0 $0x108  }
0x21: {  	s3 =	sadd.s32 s3, s9;
	s6 =	sadd.s32 @!p0 $0x88, s6;
	s7 =	simm.s32 @p2 $0x1082  }
0x22: {  	[simem:s7], [sflag:s8] =	dma.local @!p0 [hbm:s6], $0xF7A  }
0x23: {  	s9 =	sor.u32 $0xD0000000, s2;
	s6 =	simm.s32 $0x108;
	_ =	swait.ge @!p0 [sflag:s8], $0x0  }
0x24: {  	s3 =	sadd.s32 $0x88, s3;
	s6 =	simm.s32 @!p1 $0x1082;
	[sflag:s4] =	ssyncset.s32 $0xFFFFF086  }
0x25: {  	[simem:s6], [sflag:s4] =	dma.local [hbm:s3], $0xF7A  }
0x26: {  	[smem:$0x3F97] =	sst s1;
	(tag) =	ssettag s2;
	_ =	strace s9  }
0x27: {  	s1 =	sld [smem:$0x3FA7]  }
0x28: {  	s2 =	sld [smem:$0x3FA8]  }
0x29: {  	s4 =	sld [smem:$0x3FAA]  }
0x2a: {  	p0 =	seq.s32 s5, $0x0;
	s5 =	sld [smem:$0x3FAB]  }
0x2b: {  	s6 =	sld [smem:$0x3FAC]  }
0x2c: {  	s7 =	sld [smem:$0x3FAD]  }
0x2d: {  	s3 =	simm.s32 $0x108;
	s8 =	sld [smem:$0x3FAE]  }
0x2e: {  	s3 =	simm.s32 @!p0 $0x1082;
	s9 =	sld [smem:$0x3FAF]  }
0x2f: {  	lr =	sadd.s32 s0, s3;
	s0 =	sld [smem:$0x3FA6]  }
0x30: {  	s3 =	sld [smem:$0x3FA9]  }
0x31: {  	[smem:$0x3FB2] =	sst s10  }
0x32: {  	s10 =	sld [smem:$0x3FB0];
	_ =	sdelay $0x3  }
0x33: {  	p0 =	seq.s32 s10, $0x1;
	s10 =	sld [smem:$0x3FB2];
	_ =	sdelay $0x3  }
0x34: {  	[smem:$0x3FB2] =	sst s10  }
0x35: {  	s10 =	sld [smem:$0x3FB1];
	_ =	sdelay $0x3  }
0x36: {  	p1 =	seq.s32 s10, $0x1;
	s10 =	sld [smem:$0x3FB2];
	_ =	sdelay $0x3  }
0x37: {  	[smem:$0x3FB2] =	sst s10  }
0x38: {  	s10 =	sld [smem:$0x3FB3]  }
0x39: {  	_ = 	snop;
	(pc) =	sbr.ind lr, $3  }
0x3a: {  	_ = 	snop  }
0x3b: {  	_ = 	snop  }
0x3c: {  	p2 =	seq.s32 s10, $0x1;
	s10 =	sld [smem:$0x3FB2]  }
0x3d: {  	_ =	shalt  }
0x3e: {  	_ =	shalt  }
0x3f: {  	_ =	shalt  }
0x40: {  	_ =	shalt  }
0x41: {  	_ =	shalt  }
0x42: {  	_ =	shalt  }
0x43: {  	_ =	shalt  }
0x44: {  	_ =	shalt  }
0x45: {  	_ =	shalt  }
0x46: {  	_ =	shalt  }
0x47: {  	_ =	shalt  }
0x48: {  	_ =	shalt  }
0x49: {  	_ =	shalt  }
0x4a: {  	_ =	shalt  }
0x4b: {  	_ =	shalt  }
0x4c: {  	_ =	shalt  }
0x4d: {  	_ =	shalt  }
0x4e: {  	_ =	shalt  }
0x4f: {  	_ =	shalt  }
0x50: {  	_ =	shalt  }
0x51: {  	_ =	shalt  }
0x52: {  	_ =	shalt  }
0x53: {  	_ =	shalt  }
0x54: {  	_ =	shalt  }
0x55: {  	_ =	shalt  }
0x56: {  	_ =	shalt  }
0x57: {  	_ =	shalt  }
0x58: {  	_ =	shalt  }
0x59: {  	_ =	shalt  }
0x5a: {  	_ =	shalt  }
0x5b: {  	_ =	shalt  }
0x5c: {  	_ =	shalt  }
0x5d: {  	_ =	shalt  }
0x5e: {  	_ =	shalt  }
0x5f: {  	_ =	shalt  }
0x60: {  	_ =	shalt  }
0x61: {  	_ =	shalt  }
0x62: {  	_ =	shalt  }
0x63: {  	_ =	shalt  }
0x64: {  	_ =	shalt  }
0x65: {  	_ =	shalt  }
0x66: {  	_ =	shalt  }
0x67: {  	_ =	shalt  }
0x68: {  	_ =	shalt  }
0x69: {  	_ =	shalt  }
0x6a: {  	_ =	shalt  }
0x6b: {  	_ =	shalt  }
0x6c: {  	_ =	shalt  }
0x6d: {  	_ =	shalt  }
0x6e: {  	_ =	shalt  }
0x6f: {  	_ =	shalt  }
0x70: {  	_ =	shalt  }
0x71: {  	_ =	shalt  }
0x72: {  	_ =	shalt  }
0x73: {  	_ =	shalt  }
0x74: {  	_ =	shalt  }
0x75: {  	_ =	shalt  }
0x76: {  	_ =	shalt  }
0x77: {  	_ =	shalt  }
0x78: {  	_ =	shalt  }
0x79: {  	_ =	shalt  }
0x7a: {  	_ =	shalt  }
0x7b: {  	_ =	shalt  }
0x7c: {  	_ =	shalt  }
0x7d: {  	_ =	shalt  }
0x7e: {  	_ =	shalt  }
0x7f: {  	_ =	shalt  }
0x80: {  	_ =	shalt  }
0x81: {  	_ =	shalt  }
0x82: {  	_ =	shalt  }
0x83: {  	_ =	shalt  }
0x84: {  	_ =	shalt  }
0x85: {  	_ =	shalt  }
0x86: {  	_ =	shalt  }
0x87: {  	_ =	shalt  }
.Lfunc_end0:
.L_simem_size_0:
called_computation.2_lowered:
.L_overlay_start_0:
0x88: {  	s2 =	sld [smem:$0x3FD9]  }
0x89: {  	s3 =	sld [smem:$0x3FFE];
	_ =	sdelay $0x1  }
0x8a: {  	s1 =	srdreg.scid  }
0x8b: {  	s0 =	sand.u32 $0x1, s1  }
0x8c: {  	s17 =	sshll.u32 s0, $0xA;
	s2 =	sadd.s32 s3, s2  }
0x8d: {  	s2 =	sadd.s32 s2, s17  }
0x8e: {  	[smem:$0x3FBE] =	sst s2  }
0x8f: {  	_ = 	snop  }
0x90: {  	s2 =	sld [smem:$0x3FD0];
	(tm) =	ssettm $0x1  }
0x91: {  	s18 =	sld [smem:$0x3FFB];
	_ =	sdelay $0x3  }
0x92: {  	_ =	strace s18  }
0x93: {  	s3 =	sld [smem:$0x3FFC];
	_ =	sdelay $0x3  }
0x94: {  	_ =	strace s3  }
0x95: {  	s3 =	sld [smem:$0x3FFD];
	_ =	sdelay $0x3  }
0x96: {  	_ =	strace s3  }
0x97: {  	_ =	strace $0x8FFFFFFF  }
0x98: {  	s19 =	sld [smem:$0x3FDB];
	_ =	sdelay $0x1  }
0x99: {  	s4 =	simm.s32 $_scs_section_size  }
0x9a: {  	s5 =	simm.s32 $_size__tile_overlayer_lowered;
	s6 =	simm.s32 $_tile_overlayer_lowered  }
0x9b: {  	s22 =	simm.s32 $0x1BFF;
	s21 =	sshll.u32 s6, $0x1;
	s3 =	sadd.s32 s4, s19  }
0x9c: {  	s7 =	simm.s32 $0x0;
	s20 =	sshll.u32 s5, $0x1;
	s5 =	sadd.s32 s21, s3  }
0x9d: {  	[timem:s7], [sflag:s22] =	dma.local [hbm:s5], s20  }
0x9e: {  	_ =	swait.ge [sflag:s22], s20  }
0x9f: {  	s4 =	ssub.s32 $0x0, s20;
	[sflag:s22] =	ssyncset.done $0x0  }
0xa0: {  	[sflag:s22] =	ssyncadd.s32 s4;
	_ =	sdelay $0x1  }
0xa1: {  	s23 =	simm.s32 $0x1B8B  }
0xa2: {  	_ =	swait.ge [sflag:s23], $0x1  }
0xa3: {  	[sflag:s23] =	ssyncset.done $0x0  }
0xa4: {  	s25 =	simm.s32 $0x1B8E;
	s24 =	sld [smem:$0x3FFE];
	[sflag:s23] =	ssyncadd.s32 $0xFFFFFFFF  }
0xa5: {  	s26 =	simm.s32 $execute0_lowered;
	[smem:$0x3FD2] =	sst s25  }
0xa6: {  	s5 =	sshll.u32 s26, $0x1;
	_ =	strace $0x8000004C;
	[dreg:$0x1] =	wrdreg $0xFFFFFFFF  }
0xa7: {  	s28 =	simm.s32 $_size_execute0_lowered;
	s3 =	sadd.s32 s3, s5;
	[dreg:$0x0] =	wrdreg $0x0  }
0xa8: {  	s5 =	sshll.u32 s28, $0x1;
	[dreg:$0x2] =	wrdreg s3  }
0xa9: {  	[dreg:$0x3] =	wrdreg s5  }
0xaa: {  	[dreg:$0x4] =	wrdreg $0xC0  }
0xab: {  	_ =	task [dreg:s7], $0x5FFFF  }
0xac: {  	[dreg:$0x1] =	wrdreg $0xFFFFFFFF  }
0xad: {  	[dreg:$0x0] =	wrdreg $0x60  }
0xae: {  	[dreg:$0x2] =	wrdreg s24  }
0xaf: {  	[dreg:$0x3] =	wrdreg s2  }
0xb0: {  	[dreg:$0x4] =	wrdreg $0x41000  }
0xb1: {  	[dreg:$0x5] =	wrdreg $0x9  }
0xb2: {  	_ =	task.clear_ibuf [dreg:s7], $0x6FFFF;
	_ =	strace $0x9000004C  }
0xb3: {  	s29 =	simm.s32 $0x9;
	_ =	strace $0x8000004E  }
0xb4: {  	_ =	swait.ge [sflag:s29], $0x1  }
0xb5: {  	[sflag:s29] =	ssyncadd.s32 $0xFFFFFFFF  }
0xb6: {  	_ =	strace $0x9000004E  }
0xb7: {  	_ =	sfence  }
0xb8: {  	s30 =	sld [smem:$0x0];
	_ =	sdelay $0x2  }
0xb9: {  	s31 =	sshll.u32 s1, $0xD;
	s1 =	sshrl.u32 s1, $0x2  }
0xba: {  	s3 =	sand.u32 $0x4000, s31;
	s1 =	sadd.s32 s1, s30  }
0xbb: {  	s0 =	sor.u32 s3, s0;
	s1 =	sshll.u32 s1, $0x11  }
0xbc: {  	s0 =	sor.u32 s1, s0  }
0xbd: {  	s0 =	sadd.s32 $0x8F2B, s0  }
0xbe: {  	[sflag:s0] =	ssyncadd.remote.s32 $0x1  }
0xbf: {  	_ =	sfence.sel $0xFFFF  }
0xc0: {  	[dreg:$0x0] =	wrdreg $0xFFFFFFFF;
	(pc) =	sbr.abs _section_cstart, $3  }
0xc1: {  	[dreg:$0x1] =	wrdreg $0xFFFFFFFF  }
0xc2: {  	_ =	task.clear_ibuf [dreg:s7], $0x2FFFF;
	_ =	strace $0x9FFFFFFF  }
0xc3: {  	(tm) =	ssettm $0x7FFFFFFF  }
tec
execute0_lowered:
.L_overlay_start_1:
0x0: {  	(tag) =	ssettag $0x1  }
0x1: {  	s5 =	rddreg [dreg:$0x0]  }
0x2: {  	s8 =	rddreg [dreg:$0x1]  }
0x3: {  	s1 =	rddreg [dreg:$0x2];
	s2 =	srdreg.scid  }
0x4: {  	s0 =	rddreg [dreg:$0x3];
	s3 =	simm.s32 $0x0;
	s6 =	sand.u32 $0x1, s2  }
0x5: {  	s15 =	simm.s32 $0x1;
	s2 =	stileid.u32;
	s9 =	smul.u32 $0x4F00, s6  }
0x6: {  	s16 =	simm.s32 $0x0;
	[smem:$0x7FF] =	sst s3;
	s7 =	smul.u32 $0x2780, s2  }
0x7: {  	s4 =	sadd.s32 $0x29C00, s5;
	_ =	strace $0x8000004D;
	s10 =	smul.u32 $0x27800, s6  }
0x8: {  	s6 =	ssub.s32 $0x2, s6;
	s13 =	smul.u32 $0x4F000, s2;
	s29 =	sshll.u32 s2, $0x6  }
0x9: {  	s30 =	smul.u32 $0x4F0, s2;
	s12 =	sshrl.u32 s6, $0x1;
	s11 =	sadd.s32 s9, s5  }
0xa: {  	s10 =	sadd.s32 s7, s10;
	s7 =	sadd.s32 s7, s5;
	s12 =	ssub.s32 s6, s12  }
0xb: {  	s28 =	sshrl.u32 s13, $0x2;
	s6 =	sor.u32 $0x1C02, s29;
	s9 =	sadd.s32 s9, s8  }
0xc: {  	s13 =	simm.s32 $0x80;
	s10 =	sadd.s32 s10, s5;
	s14 =	sadd.s32 s28, s1  }
0xd: {  	s5 =	sadd.s32 $0x2400, s7;
	s31 =	sadd.s32 s30, s11;
	s8 =	smax.u32 s12, $0x1  }
0xe: {  	s9 =	sadd.s32 s30, s9;
	s12 =	simm.s32 $0x2;
	s7 =	sadd.s32 $0x83200, s10  }
0xf: {  	s10 =	sadd.s32 $0x79400, s31;
	s11 =	sshrl.u32 s14, $0x3;
	s14 =	simm.s32 $0x100  }
.LBB2_1:
0x10: {  	[spmem:s11], [sflag:s6] =	dma.local [hbm:s5], $0x2780  }
0x11: {  	_ =	swait.ge [sflag:s12], $0x2780  }
0x12: {  	[sflag:s12] =	ssyncset.done $0x0  }
0x13: {  	[sflag:s12] =	ssyncadd.s32 $0xFFFFD880  }
0x14: {  	s17 =	sadd.s32 $0x0, s10;
	[bflag:$0x0] =	sbarrier.arrive $0xFFFF  }
0x15: {  	[tilespmem:s3], [sflag:$0x2] =	stream.linear.gather [hbm4b:s17+s3], $0x80, $0x38;
	[tilespmem:$0x17D00] =	vst v63  }
0x16: {  	_ =	swait.ge [sflag:s12], $0x80  }
0x17: {  	[sflag:s12] =	ssyncset.done $0x0  }
0x18: {  	s31 =	sadd.s32 $0x0, s9;
	[sflag:s12] =	ssyncadd.s32 $0xFFFFFF80  }
0x19: {  	[tilespmem:s13], [sflag:$0x2] =	stream.linear.gather [hbm4b:s31+s3], $0x80, $0x38;
	[tilespmem:$0x17D00] =	vst v63  }
0x1a: {  	_ =	swait.ge [sflag:s12], $0x80  }
0x1b: {  	[sflag:s12] =	ssyncset.done $0x0  }
0x1c: {  	[sflag:s12] =	ssyncadd.s32 $0xFFFFFF80  }
0x1d: {  	[tilespmem:s14], [sflag:$0x1] =	stream.indirect.gather [hbm4b:s4+s13], $0x80, s3, s13, $0xb8;
	[tilespmem:$0x17D00] =	vst v63  }
0x1e: {  	_ =	swait.ge [sflag:s15], $0x4000  }
0x1f: {  	[sflag:s15] =	ssyncset.done $0x0  }
0x20: {  	[sflag:s15] =	ssyncadd.s32 $0xFFFFC000  }
0x21: {  	[spmem:s1] =	stream.indirect.scatter.add.f32 [tilespmem:s14], [sflag:$0x2], $0x80, s13, s13, $0xb8;
	[tilespmem:$0x17D00] =	vst v63  }
0x22: {  	_ =	swait.ge [sflag:s12], $0x4000  }
0x23: {  	s18 =	simm.s32 $0x20;
	s17 =	simm.s32 $0x10;
	[sflag:s12] =	ssyncset.done $0x0  }
.LBB2_2:
0x24: {  	s19 =	sadd.s32 s17, s10  }
0x25: {  	[sflag:s12] =	ssyncadd.s32 $0xFFFFC000;
	s20 =	smov.u32 s18;
	s21 =	sadd.s32 $0x10, s18  }
0x26: {  	[tilespmem:s3], [sflag:$0x2] =	stream.linear.gather [hbm4b:s19+s3], $0x80, $0x38;
	[tilespmem:$0x17D00] =	vst v63  }
0x27: {  	p0 =	sne.s32 s18, $0x4E0;
	_ =	swait.ge [sflag:s12], $0x80  }
0x28: {  	[sflag:s12] =	ssyncset.done $0x0  }
0x29: {  	s18 =	sadd.s32 s17, s9;
	s17 =	smov.u32 s20;
	[sflag:s12] =	ssyncadd.s32 $0xFFFFFF80  }
0x2a: {  	[tilespmem:s13], [sflag:$0x2] =	stream.linear.gather [hbm4b:s18+s3], $0x80, $0x38;
	[tilespmem:$0x17D00] =	vst v63  }
0x2b: {  	_ =	swait.ge [sflag:s12], $0x80  }
0x2c: {  	[sflag:s12] =	ssyncset.done $0x0  }
0x2d: {  	[sflag:s12] =	ssyncadd.s32 $0xFFFFFF80  }
0x2e: {  	[tilespmem:s14], [sflag:$0x1] =	stream.indirect.gather [hbm4b:s4+s13], $0x80, s3, s13, $0xb8;
	[tilespmem:$0x17D00] =	vst v63  }
0x2f: {  	_ =	swait.ge [sflag:s15], $0x4000  }
.Ltmp0:
0x30: {  	[sflag:s15] =	ssyncset.done $0x0;
	(pc) =	sbr.rel @p0 .LBB2_2-.Ltmp0, $4  }
0x31: {  	[sflag:s15] =	ssyncadd.s32 $0xFFFFC000  }
0x32: {  	[spmem:s1] =	stream.indirect.scatter.add.f32 [tilespmem:s14], [sflag:$0x2], $0x80, s13, s13, $0xb8;
	[tilespmem:$0x17D00] =	vst v63  }
0x33: {  	_ =	swait.ge [sflag:s12], $0x4000  }
0x34: {  	s18 =	smov.u32 s21;
	[sflag:s12] =	ssyncset.done $0x0  }
0x35: {  	s18 =	sadd.s32 s17, s10;
	[sflag:s12] =	ssyncadd.s32 $0xFFFFC000  }
0x36: {  	[tilespmem:s3], [sflag:$0x2] =	stream.linear.gather [hbm4b:s18+s3], $0x80, $0x38;
	[tilespmem:$0x17D00] =	vst v63  }
0x37: {  	_ =	swait.ge [sflag:s12], $0x80  }
0x38: {  	[sflag:s12] =	ssyncset.done $0x0  }
0x39: {  	s31 =	sadd.s32 s17, s9;
	[sflag:s12] =	ssyncadd.s32 $0xFFFFFF80  }
0x3a: {  	[tilespmem:s13], [sflag:$0x2] =	stream.linear.gather [hbm4b:s31+s3], $0x80, $0x38;
	[tilespmem:$0x17D00] =	vst v63  }
0x3b: {  	_ =	swait.ge [sflag:s12], $0x80  }
0x3c: {  	[sflag:s12] =	ssyncset.done $0x0  }
0x3d: {  	[sflag:s12] =	ssyncadd.s32 $0xFFFFFF80  }
0x3e: {  	[tilespmem:s14], [sflag:$0x1] =	stream.indirect.gather [hbm4b:s4+s13], $0x80, s3, s13, $0xb8;
	[tilespmem:$0x17D00] =	vst v63  }
0x3f: {  	_ =	swait.ge [sflag:s15], $0x4000  }
0x40: {  	[sflag:s15] =	ssyncset.done $0x0  }
0x41: {  	[sflag:s15] =	ssyncadd.s32 $0xFFFFC000  }
0x42: {  	[spmem:s1] =	stream.indirect.scatter.add.f32 [tilespmem:s14], [sflag:$0x2], $0x80, s13, s13, $0xb8;
	[tilespmem:$0x17D00] =	vst v63  }
0x43: {  	_ =	swait.ge [sflag:s12], $0x4000  }
0x44: {  	s16 =	sadd.s32 $0x1, s16;
	[sflag:s12] =	ssyncset.done $0x0  }
0x45: {  	p0 =	sne.s32 s16, s8;
	[sflag:s12] =	ssyncadd.s32 $0xFFFFC000  }
.Ltmp1:
0x46: {  	[bflag:$0x0] =	sbarrier.arrive $0xFFFF;
	(pc) =	sbr.rel @p0 .LBB2_1-.Ltmp1, $4  }
0x47: {  	[hbm:s7], [sflag:s6] =	dma.local [spmem:s11], $0x2780  }
0x48: {  	_ =	swait.ge [sflag:s12], $0x2780  }
0x49: {  	[sflag:s12] =	ssyncset.done $0x0  }
0x4a: {  	[sflag:s12] =	ssyncadd.s32 $0xFFFFD880  }
0x4b: {  	_ =	sfence.sel $0x180000  }
0x4c: {  	[bflag:$0x0] =	sbarrier.arrive $0xFFFF  }
0x4d: {  	p0 =	sne.s32 s2, $0x0;
	_ =	strace $0x9000004D  }
0x4e: {  	s0 =	sadd.s32 @!p0 $0x100000, s0;
	[bflag:$0x2] =	sbarrier.arrive $0xFFFF  }
0x4f: {  	[sflag:s0] =	ssyncadd.tile.s32 @!p0 $0x1;
	_ =	shalt  }
.Lfunc_end2:
_tile_overlayer_lowered:
.L_overlay_start_2:
0x50: {  	(tag) =	ssettag $0x2  }
0x51: {  	s0 =	rddreg [dreg:$0x0];
	s2 =	stileid.u32  }
0x52: {  	s1 =	rddreg [dreg:$0x1];
	p0 =	sne.s32 s2, $0x0  }
0x53: {  	s3 =	rddreg [dreg:$0x2];
	[bflag:$0x3] =	sbarrier.arrive $0xFFFF;
	s2 =	simm.s32 @!p0 $0x1C02  }
0x54: {  	[timem:s3], [sflag:s2] =	dma.local @!p0 [hbm:s0], s1  }
0x55: {  	s0 =	simm.s32 @!p0 $0x2  }
0x56: {  	_ =	swait.ge @!p0 [sflag:s0], s1  }
0x57: {  	s1 =	ssub.s32 @!p0 $0x0, s1;
	[sflag:s0] =	ssyncset.done @!p0 $0x0  }
0x58: {  	[sflag:s0] =	ssyncadd.s32 @!p0 s1  }
0x59: {  	[bflag:$0x3] =	sbarrier.arrive $0xFFFF  }
0x5a: {  	_ =	shalt  }

// kernel: kernel.8.cloned.1.call-start
scs
__scs_entry_jumppad:
0x0: {  	(pc) =	sbr.rel $0x88, $3  }
0x1: {  	(tag) =	ssettag $0x0;
	lr =	simm.s32 $0x1  }
0x2: {  	[smem:$0x3F97] =	sst lr;
	_ =	strace $0xD0000000  }
0x3: {  	_ = 	snop  }
0x4: {  	_ = 	snop  }
0x5: {  	_ = 	snop  }
0x6: {  	_ = 	snop  }
0x7: {  	_ = 	snop  }
__scs_overlays_trampoline_lowered:
0x8: {  	[smem:$0x3FA6] =	sst s0  }
0x9: {  	[smem:$0x3FA7] =	sst s1  }
0xa: {  	[smem:$0x3FA8] =	sst s2  }
0xb: {  	[smem:$0x3FA9] =	sst s3  }
0xc: {  	[smem:$0x3FAA] =	sst s4  }
0xd: {  	[smem:$0x3FAB] =	sst s5  }
0xe: {  	[smem:$0x3FAC] =	sst s6  }
0xf: {  	[smem:$0x3FAD] =	sst s7  }
0x10: {  	[smem:$0x3FAE] =	sst s8  }
0x11: {  	[smem:$0x3FAF] =	sst s9;
	s0 =	simm.s32 @!p0 $0x0  }
0x12: {  	s1 =	sld [smem:$0x3F95];
	s0 =	simm.s32 @p0 $0x1  }
0x13: {  	[smem:$0x3FB0] =	sst s0;
	s0 =	simm.s32 @!p1 $0x0  }
0x14: {  	s2 =	sld [smem:$0x3F94];
	s0 =	simm.s32 @p1 $0x1  }
0x15: {  	[smem:$0x3FB1] =	sst s0;
	s0 =	simm.s32 @!p2 $0x0  }
0x16: {  	s3 =	sld [smem:$0x3FDB];
	s0 =	simm.s32 @p2 $0x1  }
0x17: {  	s4 =	simm.s32 $0x1BF5;
	[smem:$0x3FB3] =	sst s0  }
0x18: {  	s0 =	sld [smem:$0x3F96];
	_ =	swait.ge [sflag:s4], $0x0  }
0x19: {  	s7 =	sld [smem:$0x3F97]  }
0x1a: {  	s8 =	sadd.s32 $0xFFFFE003, lr  }
0x1b: {  	s9 =	sadd.s32 $0xFFFFFEF7, lr;
	s5 =	simm.s32 $0xFFFFFFFF;
	p2 =	slt.u32 s8, $0xFFFFF086  }
0x1c: {  	p1 =	slt.u32 s9, $0xF7A;
	s5 =	simm.s32 @!p2 $0x0  }
0x1d: {  	s5 =	simm.s32 @p1 $0x1;
	p0 =	seq.s32 s7, s2  }
0x1e: {  	s7 =	smul.u32 @!p0 $0xF7A, s2;
	p2 =	seq.s32 @!p0 s5, $0x0  }
0x1f: {  	s9 =	smul.u32 $0xF7A, s1;
	s8 =	simm.s32 @!p0 $0x1BF5;
	p2 =	por !p2, p0  }
0x20: {  	[sflag:s8] =	ssyncset.s32 @!p0 $0xFFFFF086;
	s6 =	sadd.s32 @!p0 s3, s7;
	s7 =	simm.s32 @!p0 $0x108  }
0x21: {  	s3 =	sadd.s32 s3, s9;
	s6 =	sadd.s32 @!p0 $0x88, s6;
	s7 =	simm.s32 @p2 $0x1082  }
0x22: {  	[simem:s7], [sflag:s8] =	dma.local @!p0 [hbm:s6], $0xF7A  }
0x23: {  	s9 =	sor.u32 $0xD0000000, s2;
	s6 =	simm.s32 $0x108;
	_ =	swait.ge @!p0 [sflag:s8], $0x0  }
0x24: {  	s3 =	sadd.s32 $0x88, s3;
	s6 =	simm.s32 @!p1 $0x1082;
	[sflag:s4] =	ssyncset.s32 $0xFFFFF086  }
0x25: {  	[simem:s6], [sflag:s4] =	dma.local [hbm:s3], $0xF7A  }
0x26: {  	[smem:$0x3F97] =	sst s1;
	(tag) =	ssettag s2;
	_ =	strace s9  }
0x27: {  	s1 =	sld [smem:$0x3FA7]  }
0x28: {  	s2 =	sld [smem:$0x3FA8]  }
0x29: {  	s4 =	sld [smem:$0x3FAA]  }
0x2a: {  	p0 =	seq.s32 s5, $0x0;
	s5 =	sld [smem:$0x3FAB]  }
0x2b: {  	s6 =	sld [smem:$0x3FAC]  }
0x2c: {  	s7 =	sld [smem:$0x3FAD]  }
0x2d: {  	s3 =	simm.s32 $0x108;
	s8 =	sld [smem:$0x3FAE]  }
0x2e: {  	s3 =	simm.s32 @!p0 $0x1082;
	s9 =	sld [smem:$0x3FAF]  }
0x2f: {  	lr =	sadd.s32 s0, s3;
	s0 =	sld [smem:$0x3FA6]  }
0x30: {  	s3 =	sld [smem:$0x3FA9]  }
0x31: {  	[smem:$0x3FB2] =	sst s10  }
0x32: {  	s10 =	sld [smem:$0x3FB0];
	_ =	sdelay $0x3  }
0x33: {  	p0 =	seq.s32 s10, $0x1;
	s10 =	sld [smem:$0x3FB2];
	_ =	sdelay $0x3  }
0x34: {  	[smem:$0x3FB2] =	sst s10  }
0x35: {  	s10 =	sld [smem:$0x3FB1];
	_ =	sdelay $0x3  }
0x36: {  	p1 =	seq.s32 s10, $0x1;
	s10 =	sld [smem:$0x3FB2];
	_ =	sdelay $0x3  }
0x37: {  	[smem:$0x3FB2] =	sst s10  }
0x38: {  	s10 =	sld [smem:$0x3FB3]  }
0x39: {  	_ = 	snop;
	(pc) =	sbr.ind lr, $3  }
0x3a: {  	_ = 	snop  }
0x3b: {  	_ = 	snop  }
0x3c: {  	p2 =	seq.s32 s10, $0x1;
	s10 =	sld [smem:$0x3FB2]  }
0x3d: {  	_ =	shalt  }
0x3e: {  	_ =	shalt  }
0x3f: {  	_ =	shalt  }
0x40: {  	_ =	shalt  }
0x41: {  	_ =	shalt  }
0x42: {  	_ =	shalt  }
0x43: {  	_ =	shalt  }
0x44: {  	_ =	shalt  }
0x45: {  	_ =	shalt  }
0x46: {  	_ =	shalt  }
0x47: {  	_ =	shalt  }
0x48: {  	_ =	shalt  }
0x49: {  	_ =	shalt  }
0x4a: {  	_ =	shalt  }
0x4b: {  	_ =	shalt  }
0x4c: {  	_ =	shalt  }
0x4d: {  	_ =	shalt  }
0x4e: {  	_ =	shalt  }
0x4f: {  	_ =	shalt  }
0x50: {  	_ =	shalt  }
0x51: {  	_ =	shalt  }
0x52: {  	_ =	shalt  }
0x53: {  	_ =	shalt  }
0x54: {  	_ =	shalt  }
0x55: {  	_ =	shalt  }
0x56: {  	_ =	shalt  }
0x57: {  	_ =	shalt  }
0x58: {  	_ =	shalt  }
0x59: {  	_ =	shalt  }
0x5a: {  	_ =	shalt  }
0x5b: {  	_ =	shalt  }
0x5c: {  	_ =	shalt  }
0x5d: {  	_ =	shalt  }
0x5e: {  	_ =	shalt  }
0x5f: {  	_ =	shalt  }
0x60: {  	_ =	shalt  }
0x61: {  	_ =	shalt  }
0x62: {  	_ =	shalt  }
0x63: {  	_ =	shalt  }
0x64: {  	_ =	shalt  }
0x65: {  	_ =	shalt  }
0x66: {  	_ =	shalt  }
0x67: {  	_ =	shalt  }
0x68: {  	_ =	shalt  }
0x69: {  	_ =	shalt  }
0x6a: {  	_ =	shalt  }
0x6b: {  	_ =	shalt  }
0x6c: {  	_ =	shalt  }
0x6d: {  	_ =	shalt  }
0x6e: {  	_ =	shalt  }
0x6f: {  	_ =	shalt  }
0x70: {  	_ =	shalt  }
0x71: {  	_ =	shalt  }
0x72: {  	_ =	shalt  }
0x73: {  	_ =	shalt  }
0x74: {  	_ =	shalt  }
0x75: {  	_ =	shalt  }
0x76: {  	_ =	shalt  }
0x77: {  	_ =	shalt  }
0x78: {  	_ =	shalt  }
0x79: {  	_ =	shalt  }
0x7a: {  	_ =	shalt  }
0x7b: {  	_ =	shalt  }
0x7c: {  	_ =	shalt  }
0x7d: {  	_ =	shalt  }
0x7e: {  	_ =	shalt  }
0x7f: {  	_ =	shalt  }
0x80: {  	_ =	shalt  }
0x81: {  	_ =	shalt  }
0x82: {  	_ =	shalt  }
0x83: {  	_ =	shalt  }
0x84: {  	_ =	shalt  }
0x85: {  	_ =	shalt  }
0x86: {  	_ =	shalt  }
0x87: {  	_ =	shalt  }
.Lfunc_end0:
.L_simem_size_0:
called_computation_lowered:
.L_overlay_start_0:
0x88: {  	s2 =	sld [smem:$0x3FD9]  }
0x89: {  	s3 =	sld [smem:$0x3FFE];
	_ =	sdelay $0x1  }
0x8a: {  	s1 =	srdreg.scid  }
0x8b: {  	s0 =	sand.u32 $0x1, s1  }
0x8c: {  	s17 =	sshll.u32 s0, $0xA;
	s2 =	sadd.s32 s3, s2  }
0x8d: {  	s2 =	sadd.s32 s2, s17  }
0x8e: {  	[smem:$0x3FBE] =	sst s2  }
0x8f: {  	_ = 	snop  }
0x90: {  	s2 =	sld [smem:$0x3FD0];
	(tm) =	ssettm $0x1  }
0x91: {  	s18 =	sld [smem:$0x3FFB];
	_ =	sdelay $0x3  }
0x92: {  	_ =	strace s18  }
0x93: {  	s3 =	sld [smem:$0x3FFC];
	_ =	sdelay $0x3  }
0x94: {  	_ =	strace s3  }
0x95: {  	s3 =	sld [smem:$0x3FFD];
	_ =	sdelay $0x3  }
0x96: {  	_ =	strace s3  }
0x97: {  	_ =	strace $0x8FFFFFFF  }
0x98: {  	s19 =	sld [smem:$0x3FDB];
	_ =	sdelay $0x1  }
0x99: {  	s4 =	simm.s32 $_scs_section_size  }
0x9a: {  	s5 =	simm.s32 $_size__tile_overlayer_lowered;
	s6 =	simm.s32 $_tile_overlayer_lowered  }
0x9b: {  	s22 =	simm.s32 $0x1BFF;
	s21 =	sshll.u32 s6, $0x1;
	s3 =	sadd.s32 s4, s19  }
0x9c: {  	s7 =	simm.s32 $0x0;
	s20 =	sshll.u32 s5, $0x1;
	s5 =	sadd.s32 s21, s3  }
0x9d: {  	[timem:s7], [sflag:s22] =	dma.local [hbm:s5], s20  }
0x9e: {  	_ =	swait.ge [sflag:s22], s20  }
0x9f: {  	s4 =	ssub.s32 $0x0, s20;
	[sflag:s22] =	ssyncset.done $0x0  }
0xa0: {  	[sflag:s22] =	ssyncadd.s32 s4;
	_ =	sdelay $0x1  }
0xa1: {  	s23 =	simm.s32 $0x1B8B  }
0xa2: {  	_ =	swait.ge [sflag:s23], $0x1  }
0xa3: {  	[sflag:s23] =	ssyncset.done $0x0  }
0xa4: {  	s25 =	simm.s32 $0x1B8E;
	s24 =	sld [smem:$0x3FFE];
	[sflag:s23] =	ssyncadd.s32 $0xFFFFFFFF  }
0xa5: {  	s26 =	simm.s32 $execute0_lowered;
	[smem:$0x3FD2] =	sst s25  }
0xa6: {  	s5 =	sshll.u32 s26, $0x1;
	_ =	strace $0x80000046;
	[dreg:$0x1] =	wrdreg $0xFFFFFFFF  }
0xa7: {  	s28 =	simm.s32 $_size_execute0_lowered;
	s3 =	sadd.s32 s3, s5;
	[dreg:$0x0] =	wrdreg $0x0  }
0xa8: {  	s5 =	sshll.u32 s28, $0x1;
	[dreg:$0x2] =	wrdreg s3  }
0xa9: {  	[dreg:$0x3] =	wrdreg s5  }
0xaa: {  	[dreg:$0x4] =	wrdreg $0xC0  }
0xab: {  	_ =	task [dreg:s7], $0x5FFFF  }
0xac: {  	[dreg:$0x1] =	wrdreg $0xFFFFFFFF  }
0xad: {  	[dreg:$0x0] =	wrdreg $0x60  }
0xae: {  	[dreg:$0x2] =	wrdreg s2  }
0xaf: {  	[dreg:$0x3] =	wrdreg s24  }
0xb0: {  	[dreg:$0x4] =	wrdreg $0x40800  }
0xb1: {  	[dreg:$0x5] =	wrdreg $0x9  }
0xb2: {  	_ =	task.clear_ibuf [dreg:s7], $0x6FFFF;
	_ =	strace $0x90000046  }
0xb3: {  	s29 =	simm.s32 $0x9;
	_ =	strace $0x80000048  }
0xb4: {  	_ =	swait.ge [sflag:s29], $0x1  }
0xb5: {  	[sflag:s29] =	ssyncadd.s32 $0xFFFFFFFF  }
0xb6: {  	_ =	strace $0x90000048  }
0xb7: {  	_ =	sfence  }
0xb8: {  	s30 =	sld [smem:$0x0];
	_ =	sdelay $0x2  }
0xb9: {  	s31 =	sshll.u32 s1, $0xD;
	s1 =	sshrl.u32 s1, $0x2  }
0xba: {  	s3 =	sand.u32 $0x4000, s31;
	s1 =	sadd.s32 s1, s30  }
0xbb: {  	s0 =	sor.u32 s3, s0;
	s1 =	sshll.u32 s1, $0x11  }
0xbc: {  	s0 =	sor.u32 s1, s0  }
0xbd: {  	s0 =	sadd.s32 $0x8F2B, s0  }
0xbe: {  	[sflag:s0] =	ssyncadd.remote.s32 $0x1  }
0xbf: {  	_ =	sfence.sel $0xFFFF  }
0xc0: {  	[dreg:$0x0] =	wrdreg $0xFFFFFFFF;
	(pc) =	sbr.abs _section_cstart, $3  }
0xc1: {  	[dreg:$0x1] =	wrdreg $0xFFFFFFFF  }
0xc2: {  	_ =	task.clear_ibuf [dreg:s7], $0x2FFFF;
	_ =	strace $0x9FFFFFFF  }
0xc3: {  	(tm) =	ssettm $0x7FFFFFFF  }
tec
execute0_lowered:
.L_overlay_start_1:
0x0: {  	(tag) =	ssettag $0x1  }
0x1: {  	s6 =	rddreg [dreg:$0x0]  }
0x2: {  	s5 =	rddreg [dreg:$0x1]  }
0x3: {  	s2 =	rddreg [dreg:$0x2]  }
0x4: {  	s0 =	rddreg [dreg:$0x3];
	s1 =	stileid.u32  }
0x5: {  	s4 =	srdreg.scid;
	s3 =	simm.s32 $0x0;
	s7 =	smul.u32 $0x2780, s1  }
0x6: {  	s13 =	simm.s32 $0x0;
	s8 =	sand.u32 $0x1, s4;
	s11 =	smul.u32 $0x4F000, s1  }
0x7: {  	[smem:$0x7FF] =	sst s3;
	s4 =	sadd.s32 $0x29C00, s5;
	s30 =	smul.u32 $0x4F0, s1  }
0x8: {  	s31 =	sshll.u32 s1, $0x6;
	s9 =	smul.u32 $0x27800, s8;
	_ =	strace $0x80000047  }
0x9: {  	s26 =	ssub.s32 $0x2, s8;
	s8 =	smul.u32 $0x4F00, s8;
	s10 =	sadd.s32 s7, s5  }
0xa: {  	s28 =	sshrl.u32 s26, $0x1;
	s29 =	sshrl.u32 s11, $0x2;
	s11 =	sor.u32 $0x1C01, s31  }
0xb: {  	s7 =	sadd.s32 s7, s9;
	s9 =	ssub.s32 s26, s28;
	s12 =	sadd.s32 s29, s2  }
0xc: {  	s8 =	sadd.s32 s8, s6;
	s7 =	sadd.s32 s7, s5;
	s5 =	sadd.s32 $0x2400, s10  }
0xd: {  	s8 =	sadd.s32 s30, s8;
	s10 =	simm.s32 $0x1;
	s12 =	sshrl.u32 s12, $0x3  }
0xe: {  	s6 =	sadd.s32 $0x2A400, s7;
	s7 =	smax.u32 s9, $0x1;
	s9 =	simm.s32 $0x80  }
.LBB2_1:
0xf: {  	[tilespmem:s9], [sflag:$0x1] =	stream.linear.gather [hbm4b:s4+s3], $0x4000, $0x38;
	[tilespmem:$0x17C80] =	vst v63  }
0x10: {  	_ =	swait.ge [sflag:s10], $0x4000  }
0x11: {  	[sflag:s10] =	ssyncset.done $0x0  }
0x12: {  	[sflag:s10] =	ssyncadd.s32 $0xFFFFC000  }
0x13: {  	[spmem:s12], [sflag:s11] =	dma.local [hbm:s5], $0x2780  }
0x14: {  	_ =	swait.ge [sflag:s10], $0x2780  }
0x15: {  	[sflag:s10] =	ssyncset.done $0x0  }
0x16: {  	[sflag:s10] =	ssyncadd.s32 $0xFFFFD880  }
0x17: {  	s14 =	sadd.s32 $0x0, s8;
	[bflag:$0x0] =	sbarrier.arrive $0xFFFF  }
0x18: {  	[tilespmem:s3], [sflag:$0x1] =	stream.linear.gather [hbm4b:s14+s3], $0x80, $0x38;
	[tilespmem:$0x17C80] =	vst v63  }
0x19: {  	_ =	swait.ge [sflag:s10], $0x80  }
0x1a: {  	[sflag:s10] =	ssyncset.done $0x0  }
0x1b: {  	[sflag:s10] =	ssyncadd.s32 $0xFFFFFF80  }
0x1c: {  	[spmem:s2] =	stream.indirect.scatter.add.f32 [tilespmem:s9], [sflag:$0x1], $0x80, s3, s9, $0xb8;
	[tilespmem:$0x17C80] =	vst v63  }
0x1d: {  	_ =	swait.ge [sflag:s10], $0x4000  }
0x1e: {  	s15 =	simm.s32 $0x20;
	s14 =	simm.s32 $0x10;
	[sflag:s10] =	ssyncset.done $0x0  }
.LBB2_2:
0x1f: {  	s16 =	sadd.s32 s14, s8  }
0x20: {  	[sflag:s10] =	ssyncadd.s32 $0xFFFFC000;
	s14 =	smov.u32 s15;
	s17 =	sadd.s32 $0x10, s15  }
0x21: {  	[tilespmem:s3], [sflag:$0x1] =	stream.linear.gather [hbm4b:s16+s3], $0x80, $0x38;
	[tilespmem:$0x17C80] =	vst v63  }
0x22: {  	p0 =	sne.s32 s15, $0x4E0;
	_ =	swait.ge [sflag:s10], $0x80  }
.Ltmp0:
0x23: {  	[sflag:s10] =	ssyncset.done $0x0;
	(pc) =	sbr.rel @p0 .LBB2_2-.Ltmp0, $4  }
0x24: {  	[sflag:s10] =	ssyncadd.s32 $0xFFFFFF80  }
0x25: {  	[spmem:s2] =	stream.indirect.scatter.add.f32 [tilespmem:s9], [sflag:$0x1], $0x80, s3, s9, $0xb8;
	[tilespmem:$0x17C80] =	vst v63  }
0x26: {  	_ =	swait.ge [sflag:s10], $0x4000  }
0x27: {  	s15 =	smov.u32 s17;
	[sflag:s10] =	ssyncset.done $0x0  }
0x28: {  	s14 =	sadd.s32 s14, s8;
	[sflag:s10] =	ssyncadd.s32 $0xFFFFC000  }
0x29: {  	[tilespmem:s3], [sflag:$0x1] =	stream.linear.gather [hbm4b:s14+s3], $0x80, $0x38;
	[tilespmem:$0x17C80] =	vst v63  }
0x2a: {  	_ =	swait.ge [sflag:s10], $0x80  }
0x2b: {  	[sflag:s10] =	ssyncset.done $0x0  }
0x2c: {  	[sflag:s10] =	ssyncadd.s32 $0xFFFFFF80  }
0x2d: {  	[spmem:s2] =	stream.indirect.scatter.add.f32 [tilespmem:s9], [sflag:$0x1], $0x80, s3, s9, $0xb8;
	[tilespmem:$0x17C80] =	vst v63  }
0x2e: {  	_ =	swait.ge [sflag:s10], $0x4000  }
0x2f: {  	s13 =	sadd.s32 $0x1, s13;
	[sflag:s10] =	ssyncset.done $0x0  }
0x30: {  	p0 =	sne.s32 s13, s7;
	[sflag:s10] =	ssyncadd.s32 $0xFFFFC000  }
.Ltmp1:
0x31: {  	[bflag:$0x0] =	sbarrier.arrive $0xFFFF;
	(pc) =	sbr.rel @p0 .LBB2_1-.Ltmp1, $4  }
0x32: {  	[hbm:s6], [sflag:s11] =	dma.local [spmem:s12], $0x2780  }
0x33: {  	_ =	swait.ge [sflag:s10], $0x2780  }
0x34: {  	[sflag:s10] =	ssyncset.done $0x0  }
0x35: {  	[sflag:s10] =	ssyncadd.s32 $0xFFFFD880  }
0x36: {  	_ =	sfence.sel $0x180000  }
0x37: {  	[bflag:$0x0] =	sbarrier.arrive $0xFFFF  }
0x38: {  	p0 =	sne.s32 s1, $0x0;
	_ =	strace $0x90000047  }
0x39: {  	s0 =	sadd.s32 @!p0 $0x100000, s0;
	[bflag:$0x2] =	sbarrier.arrive $0xFFFF  }
0x3a: {  	[sflag:s0] =	ssyncadd.tile.s32 @!p0 $0x1;
	_ =	shalt  }
.Lfunc_end2:
_tile_overlayer_lowered:
.L_overlay_start_2:
0x3b: {  	(tag) =	ssettag $0x2  }
0x3c: {  	s0 =	rddreg [dreg:$0x0];
	s2 =	stileid.u32  }
0x3d: {  	s1 =	rddreg [dreg:$0x1];
	p0 =	sne.s32 s2, $0x0  }
0x3e: {  	s3 =	rddreg [dreg:$0x2];
	[bflag:$0x3] =	sbarrier.arrive $0xFFFF;
	s2 =	simm.s32 @!p0 $0x1C01  }
0x3f: {  	[timem:s3], [sflag:s2] =	dma.local @!p0 [hbm:s0], s1  }
0x40: {  	s0 =	simm.s32 @!p0 $0x1  }
0x41: {  	_ =	swait.ge @!p0 [sflag:s0], s1  }
0x42: {  	s1 =	ssub.s32 @!p0 $0x0, s1;
	[sflag:s0] =	ssyncset.done @!p0 $0x0  }
0x43: {  	[sflag:s0] =	ssyncadd.s32 @!p0 s1  }
0x44: {  	[bflag:$0x3] =	sbarrier.arrive $0xFFFF  }
0x45: {  	_ =	shalt  }

</sc_bundles>
